<compile_context>
chip_gen: v7x
topology: tpu7x:2x2x1
jax: 0.10.2.dev20260603
libtpu: 0.0.44.dev20260713+nightly
codegen_flags: <defaults>
</compile_context>

<pallas_src>
import functools

import jax
import jax.numpy as jnp
from jax import lax
from jax.experimental import pallas as pl
from jax.experimental.pallas import tpu as pltpu
from jax.experimental.pallas import tpu_sc as plsc

_NC, _NS = 2, 16
_NW = _NC * _NS
_CH = 800


def _ln(z, g, b):
    mu = jnp.mean(z, axis=-1, keepdims=True)
    var = jnp.mean((z - mu) ** 2, axis=-1, keepdims=True)
    return (z - mu) * lax.rsqrt(var + 1e-5) * g + b


def _dot(a, b):
    return jnp.dot(a, b, preferred_element_type=jnp.float32)


def _dotb(a, b):
    return jnp.dot(a.astype(jnp.bfloat16), b.astype(jnp.bfloat16),
                   preferred_element_type=jnp.float32)



def _encoder_body(x_ref, w1, b1, w2, b2, wcat, h_ref, ab_ref):
    z = jnp.maximum(_dot(x_ref[...], w1[...]) + b1[...], 0.0)
    z = jnp.maximum(_dot(z, w2[...]) + b2[...], 0.0)
    h_ref[...] = z
    ab_ref[...] = _dot(z, wcat[...])


def _encoder(x, p, we1):
    n = x.shape[0]
    w1, b1 = p["linears"][0]["W"], p["linears"][0]["b"].reshape(1, -1)
    w2, b2 = p["linears"][1]["W"], p["linears"][1]["b"].reshape(1, -1)
    wcat = jnp.concatenate([we1[:64], we1[64:]], axis=1)
    r = 1000
    full = lambda s: pl.BlockSpec(s, lambda i: (0,) * len(s))
    return pl.pallas_call(
        _encoder_body,
        grid=(n // r,),
        in_specs=[pl.BlockSpec((r, 128), lambda i: (i, 0)),
                  full((128, 64)), full((1, 64)),
                  full((64, 64)), full((1, 64)),
                  full((64, 128))],
        out_specs=[pl.BlockSpec((r, 64), lambda i: (i, 0)),
                   pl.BlockSpec((r, 128), lambda i: (i, 0))],
        out_shape=[jax.ShapeDtypeStruct((n, 64), jnp.float32),
                   jax.ShapeDtypeStruct((n, 128), jnp.float32)],
    )(x, w1, b1, w2, b2, wcat)


def _lnr(z, j64):
    del j64
    mu = jnp.mean(z, axis=-1, keepdims=True)
    d = z - mu
    var = jnp.mean(d * d, axis=-1, keepdims=True)
    return jnp.maximum(d * lax.rsqrt(var + 1e-5), 0.0)


def _edge_mlp_body(x0_ref, x1_ref, pa, pb, b1, wmid, bmid, j64,
                   out_ref):
    d = pl.program_id(1)
    r = x0_ref.shape[0]
    hh = r // 2

    def run(x0, x1):
        pre_f = x0[:, 0:64] + x1[:, 64:128]
        pre_b = x1[:, 0:64] + x0[:, 64:128]
        z = jnp.where(d == 0, pre_f, pre_b) + b1[...]
        z = _lnr(z, j64)
        for i in range(3):
            z = _dot(z, wmid[i]) + bmid[i]
            z = _lnr(z, j64)
        return z.T

    out_ref[:, 0:hh] = run(x0_ref[0:hh], x1_ref[0:hh])
    out_ref[:, hh:r] = run(x0_ref[hh:r], x1_ref[hh:r])


def _edge_mlp(g, p):
    e2 = g.shape[0]
    e = e2 // 2
    r = 2560
    nb = e // r
    lin, lns = p["linears"], p["lns"]
    b1 = lin[0]["b"].reshape(1, -1)
    eye = jnp.eye(64, dtype=jnp.float32)
    zz = jnp.zeros((64, 64), jnp.float32)
    pa = jnp.concatenate([eye, zz], axis=0)
    pb = jnp.concatenate([zz, eye], axis=0)
    j64 = jnp.full((64, 64), 1.0 / 64, jnp.float32)
    wmid = jnp.stack([lin[i]["W"] for i in (1, 2, 3)])
    bmid = jnp.stack([lin[i]["b"].reshape(1, -1) for i in (1, 2, 3)])
    full = lambda s: pl.BlockSpec(s, lambda gi, d: (0,) * len(s))
    return pl.pallas_call(
        _edge_mlp_body,
        grid=(nb, 2),
        in_specs=[pl.BlockSpec((r, 128), lambda gi, d: (gi, 0)),
                  pl.BlockSpec((r, 128), lambda gi, d: (gi + nb, 0)),
                  full((128, 64)), full((128, 64)), full((1, 64)),
                  full((3, 64, 64)), full((3, 1, 64)), full((64, 64))],
        out_specs=pl.BlockSpec((64, r), lambda gi, d: (0, gi + d * nb)),
        out_shape=jax.ShapeDtypeStruct((64, e2), jnp.float32),
    )(g, g, pa, pb, b1, wmid, bmid, j64)


def _node_mlp_body(h_ref, p_ref, w1a, w1b, b1, wmid, bmid, lng, lnb, wu, wv,
                   u_ref, v_ref):
    h = h_ref[...]
    z = _dot(h, w1a[...]) + _dot(p_ref[...], w1b[...]) + b1[...]
    z = jnp.maximum(_ln(z, lng[0], lnb[0]), 0.0)
    for i in range(3):
        z = _dot(z, wmid[i]) + bmid[i]
        z = jnp.maximum(_ln(z, lng[i + 1], lnb[i + 1]), 0.0)
    h2 = z + h
    u_ref[...] = _dot(h2, wu[...])
    v_ref[...] = _dot(h2, wv[...])


def _node_mlp(h, aggr, p, wc1, wr1):
    n = h.shape[0]
    r = 1000
    lin, lns = p["linears"], p["lns"]
    w1a = lin[0]["W"][:64]
    w1b = lin[0]["W"][64:]
    b1 = lin[0]["b"].reshape(1, -1)
    wmid = jnp.stack([lin[i]["W"] for i in (1, 2, 3)])
    bmid = jnp.stack([lin[i]["b"].reshape(1, -1) for i in (1, 2, 3)])
    lng = jnp.stack([lns[i]["g"].reshape(1, -1) for i in range(4)])
    lnb = jnp.stack([lns[i]["b"].reshape(1, -1) for i in range(4)])
    wu = jnp.concatenate([wc1[:64], wr1[:64]], axis=1)
    wv = jnp.concatenate([wc1[64:], wr1[64:]], axis=1)
    full = lambda s: pl.BlockSpec(s, lambda i: (0,) * len(s))
    return pl.pallas_call(
        _node_mlp_body,
        grid=(n // r,),
        in_specs=[pl.BlockSpec((r, 64), lambda i: (i, 0)),
                  pl.BlockSpec((r, 64), lambda i: (i, 0)),
                  full((64, 64)), full((64, 64)), full((1, 64)),
                  full((3, 64, 64)), full((3, 1, 64)),
                  full((4, 1, 64)), full((4, 1, 64)),
                  full((64, 128)), full((64, 128))],
        out_specs=[pl.BlockSpec((r, 128), lambda i: (i, 0)),
                   pl.BlockSpec((r, 128), lambda i: (i, 0))],
        out_shape=[jax.ShapeDtypeStruct((n, 128), jnp.float32),
                   jax.ShapeDtypeStruct((n, 128), jnp.float32)],
    )(h, aggr, w1a, w1b, b1, wmid, bmid, lng, lnb, wu, wv)


def _psum_t_body(p_ref, out_ref):
    s = p_ref[0] + p_ref[1] + p_ref[2] + p_ref[3]
    out_ref[...] = s.T


def _psum_t(parts):
    n_pad = parts.shape[2]
    r = 1024
    return pl.pallas_call(
        _psum_t_body,
        grid=(n_pad // r,),
        in_specs=[pl.BlockSpec((4, 64, r), lambda i: (0, 0, i))],
        out_specs=pl.BlockSpec((r, 64), lambda i: (i, 0)),
        out_shape=jax.ShapeDtypeStruct((n_pad, 64), jnp.float32),
    )(parts)


def _clf_body(x0_ref, x1_ref, b1, w2, b2, out_ref):
    z = jnp.maximum(x0_ref[...] + x1_ref[...] + b1[...], 0.0)
    s2 = lax.dot_general(w2[...], z, (((1,), (1,)), ((), ())),
                         preferred_element_type=jnp.float32)
    out_ref[...] = s2 + b2[...]


def _clf(g2, pc, pr):
    e2 = g2.shape[0]
    e = e2 // 2
    r = 512
    nb = e // r
    b1 = jnp.concatenate([pc["linears"][0]["b"], pr["linears"][0]["b"]]).reshape(1, -1)
    z64 = jnp.zeros((64, 1), jnp.float32)
    w2 = jnp.concatenate(
        [jnp.concatenate([pc["linears"][1]["W"], z64], axis=1),
         jnp.concatenate([z64, pr["linears"][1]["W"]], axis=1)], axis=0)
    w2t = w2.T
    b2 = jnp.concatenate([pc["linears"][1]["b"], pr["linears"][1]["b"]]).reshape(-1, 1)
    full = lambda s: pl.BlockSpec(s, lambda gi: (0,) * len(s))
    return pl.pallas_call(
        _clf_body,
        grid=(nb,),
        in_specs=[pl.BlockSpec((r, 128), lambda gi: (gi, 0)),
                  pl.BlockSpec((r, 128), lambda gi: (gi + nb, 0)),
                  full((1, 128)), full((2, 128)), full((2, 1))],
        out_specs=pl.BlockSpec((2, r), lambda gi: (0, gi)),
        out_shape=jax.ShapeDtypeStruct((2, e), jnp.float32),
    )(g2, g2, b1, w2t, b2)



def _gather(u_table, v_table, idx):
    n_rows = idx.shape[0]
    per_w = n_rows // _NW
    nch = per_w // _CH
    mesh = plsc.VectorSubcoreMesh(core_axis_name="c", subcore_axis_name="s")

    @functools.partial(
        pl.kernel, mesh=mesh,
        out_type=jax.ShapeDtypeStruct((n_rows, 128), jnp.float32),
        scratch_types=[pltpu.VMEM((_CH,), jnp.int32),
                       pltpu.VMEM((_CH, 128), jnp.float32),
                       pltpu.SemaphoreType.DMA],
    )
    def k(u_h, v_h, idx_h, out_h, idx_v, rows_v, sem):
        wid = lax.axis_index("s") * _NC + lax.axis_index("c")
        base0 = wid * per_w

        def run(table_h):
            def body(i, carry):
                base = base0 + i * _CH
                pltpu.sync_copy(idx_h.at[pl.ds(base, _CH)], idx_v)
                pltpu.async_copy(table_h.at[idx_v], rows_v, sem).wait()
                pltpu.sync_copy(rows_v, out_h.at[pl.ds(base, _CH)])
                return carry
            lax.fori_loop(0, nch, body, 0)

        @pl.when(wid < _NW // 2)
        def _():
            run(u_h)

        @pl.when(wid >= _NW // 2)
        def _():
            run(v_h)

    return k(u_table, v_table, idx)


def _scatter(e_t, recv, n_nodes):
    n_rows = recv.shape[0]
    nq = 4
    nf = _NW // nq
    per_q = n_rows // nq
    ch = 1280
    nch = per_q // ch
    n_pad = 10240
    mesh = plsc.VectorSubcoreMesh(core_axis_name="c", subcore_axis_name="s")

    @functools.partial(
        pl.kernel, mesh=mesh,
        out_type=jax.ShapeDtypeStruct((nq * 64, n_pad), jnp.float32),
        compiler_params=pltpu.CompilerParams(needs_layout_passes=False),
        scratch_types=[pltpu.VMEM((ch,), jnp.int32),
                       pltpu.VMEM((8, ch), jnp.float32),
                       pltpu.VMEM((8 * n_pad,), jnp.float32)],
    )
    def k(e_h, idx_h, out_h, idx_v, rows_v, acc_v):
        wid = lax.axis_index("s") * _NC + lax.axis_index("c")
        q = wid // nf
        f0 = wid % nf

        def zero(j, carry):
            acc_v[pl.ds(j * 16, 16)] = jnp.zeros((16,), jnp.float32)
            return carry

        lax.fori_loop(0, 8 * n_pad // 16, zero, 0)

        def body(i, carry):
            base = q * per_q + i * ch
            pltpu.sync_copy(idx_h.at[pl.ds(base, ch)], idx_v)
            pltpu.sync_copy(e_h.at[pl.ds(f0 * 8, 8), pl.ds(base, ch)], rows_v)

            def group(g, carry2):
                idx16 = idx_v[pl.ds(g * 16, 16)]
                for f in range(8):
                    plsc.addupdate_scatter(
                        acc_v, [idx16 + (f * n_pad)],
                        rows_v[f, pl.ds(g * 16, 16)])
                return carry2

            lax.fori_loop(0, ch // 16, group, 0)
            return carry

        lax.fori_loop(0, nch, body, 0)

        def out_tile(t, carry):
            def stage(j, carry2):
                rows_v[j % 8, pl.ds((j // 8) * 16, 16)] = (
                    acc_v[pl.ds((j % 8) * n_pad + t * ch + (j // 8) * 16, 16)])
                return carry2
            lax.fori_loop(0, 8 * ch // 16, stage, 0)
            pltpu.sync_copy(
                rows_v, out_h.at[pl.ds(q * 64 + f0 * 8, 8), pl.ds(t * ch, ch)])
            return carry

        lax.fori_loop(0, n_pad // ch, out_tile, 0)

    return k(e_t, recv).reshape(nq, 64, n_pad)


def kernel(x, edge_index, params):
    n = x.shape[0]
    idx_flat = edge_index.reshape(-1)
    recv_all = jnp.concatenate([edge_index[1], edge_index[0]], axis=0)
    h, ab = _encoder(x, params["node_encoder"],
                     params["edge_network"]["linears"][0]["W"])
    g = _gather(ab, ab, idx_flat)
    e_t = _edge_mlp(g, params["edge_network"])
    parts = _scatter(e_t, recv_all, n)
    aggr = _psum_t(parts)[:n]
    u, v = _node_mlp(h, aggr, params["node_network"],
                     params["edge_classifier"]["linears"][0]["W"],
                     params["momentum_change_regressor"]["linears"][0]["W"])
    g2 = _gather(u, v, idx_flat)
    out = _clf(g2, params["edge_classifier"],
               params["momentum_change_regressor"])
    return out[0], out[1]

# --- scband reference (transcript-rebuilt; emitter-appended) ---
"""Pipeline reference for scband-gnn-51505247813731 (READ-ONLY COPY).

The authoritative reference and input builder live on the scoring server;
editing this copy changes nothing except your own understanding.
"""

import jax, jax.numpy as jnp
import numpy as np

N_NODES = 10000
N_EDGES = 320000
INPUT_DIM = 128
HIDDEN = 64
N_GRAPH_ITERS = 1


def _init_linear(key, fan_in, fan_out):
    k1, k2 = jax.random.split(key)
    bound = 1.0 / np.sqrt(fan_in)
    return {"W": jax.random.uniform(k1, (fan_in, fan_out), jnp.float32, -bound, bound),
            "b": jax.random.uniform(k2, (fan_out,), jnp.float32, -bound, bound)}


def _init_mlp(key, input_dim, sizes, layer_norm, output_act):
    dims = [input_dim] + list(sizes)
    keys = jax.random.split(key, len(sizes))
    linears, lns = [], []
    for i in range(len(sizes)):
        linears.append(_init_linear(keys[i], dims[i], dims[i + 1]))
        if layer_norm and (i < len(sizes) - 1 or output_act):
            lns.append({"g": jnp.ones((dims[i + 1],), jnp.float32),
                        "b": jnp.zeros((dims[i + 1],), jnp.float32)})
    return {"linears": linears, "lns": lns}


def _apply_mlp(p, x, layer_norm, output_act):
    n = len(p["linears"])
    for i in range(n):
        x = x @ p["linears"][i]["W"] + p["linears"][i]["b"]
        if i < n - 1 or output_act:
            if layer_norm:
                mu = jnp.mean(x, axis=-1, keepdims=True)
                var = jnp.var(x, axis=-1, keepdims=True)
                x = (x - mu) / jnp.sqrt(var + 1e-5) * p["lns"][i]["g"] + p["lns"][i]["b"]
            x = jax.nn.relu(x)
    return x


def setup_inputs(seed: int = 0):
    key = jax.random.key(seed)
    ks = jax.random.split(key, 8)
    x = jax.random.normal(ks[0], (N_NODES, INPUT_DIM), jnp.float32)
    edge_index = jax.random.randint(ks[1], (2, N_EDGES), 0, N_NODES, jnp.int32)
    params = {
        "node_encoder": _init_mlp(ks[2], INPUT_DIM, [HIDDEN] * 2, False, True),
        "edge_network": _init_mlp(ks[3], 2 * HIDDEN, [HIDDEN] * 4, True, True),
        "node_network": _init_mlp(ks[4], 2 * HIDDEN, [HIDDEN] * 4, True, True),
        "edge_classifier": _init_mlp(ks[5], 2 * HIDDEN, [HIDDEN, 1], False, False),
        "momentum_change_regressor": _init_mlp(ks[6], 2 * HIDDEN, [HIDDEN, 1], False, False),
    }
    return {"x": x, "edge_index": edge_index, "params": params}


def reference(x, edge_index, params):
    send_idx = jnp.concatenate([edge_index[0], edge_index[1]], axis=0)
    recv_idx = jnp.concatenate([edge_index[1], edge_index[0]], axis=0)
    h = _apply_mlp(params["node_encoder"], x, False, True)
    for _ in range(N_GRAPH_ITERS):
        h0 = h
        edge_inputs = jnp.concatenate([h[send_idx], h[recv_idx]], axis=1)
        e = _apply_mlp(params["edge_network"], edge_inputs, True, True)
        aggr_messages = jax.ops.segment_sum(e, recv_idx, num_segments=h.shape[0])
        node_inputs = jnp.concatenate([h, aggr_messages], axis=1)
        h = _apply_mlp(params["node_network"], node_inputs, True, True) + h0
    start_idx, end_idx = edge_index[0], edge_index[1]
    clf_inputs = jnp.concatenate([h[start_idx], h[end_idx]], axis=1)
    edge_scores = _apply_mlp(params["edge_classifier"], clf_inputs, False, False).squeeze(-1)
    momentum_changes = _apply_mlp(params["momentum_change_regressor"], clf_inputs, False, False).squeeze(-1)
    return (edge_scores, momentum_changes)

if __name__ == "__main__":
    import jax
    _d = setup_inputs()
    print(jax.jit(kernel)(*tuple(_d.values())))

</pallas_src>

<mosaic_0001>
#map = affine_map<(d0, d1) -> (0, 0)>
#map1 = affine_map<(d0, d1) -> (0)>
module attributes {stable_mosaic.version = 14 : i64} {
  func.func @k(%arg0: i32, %arg1: i32, %arg2: memref<10000x128xf32, #tpu.memory_space<hbm>>, %arg3: memref<10000x128xf32, #tpu.memory_space<hbm>>, %arg4: memref<640000xi32, #tpu.memory_space<hbm>>, %arg5: memref<640000x128xf32, #tpu.memory_space<hbm>>, %arg6: memref<800xi32, #tpu.memory_space<vmem>>, %arg7: memref<800x128xf32, #tpu.memory_space<vmem>>, %arg8: memref<!tpu.dma_semaphore, #tpu.memory_space<semaphore_mem>>) attributes {dimension_semantics = [#tpu.dimension_semantics<core_parallel>, #tpu.dimension_semantics<subcore_parallel>], iteration_bounds = array<i64: 2, 16>, scalar_prefetch = 0 : i64, scratch_operands = 3 : i64, tpu.core_type = #tpu.core_type<sc_vector_subcore>, window_params = [{transform_indices = #map}, {transform_indices = #map}, {transform_indices = #map1}, {transform_indices = #map}]} {
    %mul3A = arith.constant 2 : i32
    %mul3A_0 = arith.muli %arg1, %mul3A : i32
    %add3A = arith.addi %mul3A_0, %arg0 : i32
    %mul3A_1 = arith.constant 20000 : i32
    %mul3A_2 = arith.muli %add3A, %mul3A_1 : i32
    %lt3A = arith.constant 16 : i32
    %lt3A_3 = arith.cmpi slt, %add3A, %lt3A : i32
    %convert_element_type3A = arith.extui %lt3A_3 : i1 to i32
    %cond3A = arith.constant 0 : i32
    %cond3A_4 = arith.cmpi ne, %convert_element_type3A, %cond3A : i32
    scf.if %cond3A_4 {
      %scan3A = arith.constant 0 : i32
      %scan3A_9 = arith.constant 0 : i32
      %scan3A_10 = arith.constant 25 : i32
      %scan3A_11 = arith.addi %scan3A_9, %scan3A_10 : i32
      %scan3A_12 = arith.constant 1 : i32
      scf.for %scan3A_14 = %scan3A_9 to %scan3A_11 step %scan3A_12  : i32 {
        %mul3A_15 = arith.constant 800 : i32
        %mul3A_16 = arith.muli %scan3A_14, %mul3A_15 : i32
        %add3A_17 = arith.addi %mul3A_2, %mul3A_16 : i32
        "tpu.region"() ({
          %run_scoped3A = tpu.sem_alloc : memref<!tpu.dma_semaphore, #tpu.memory_space<semaphore_mem>>
          %dma_start3A_22 = tpu.memref_slice %arg4[%add3A_17] : memref<640000xi32, #tpu.memory_space<hbm>> -> memref<800xi32, #tpu.memory_space<hbm>>
          %dma_start3A_23 = tpu.memref_slice %arg4[%add3A_17] : memref<640000xi32, #tpu.memory_space<hbm>> -> memref<800xi32, #tpu.memory_space<hbm>>
          tpu.enqueue_dma source(%dma_start3A_23 : memref<800xi32, #tpu.memory_space<hbm>>) target(%arg6 : memref<800xi32, #tpu.memory_space<vmem>>) target_semaphore(%run_scoped3A : memref<!tpu.dma_semaphore, #tpu.memory_space<semaphore_mem>>)
          %dma_wait3A_24 = tpu.memref_slice %arg4[%add3A_17] : memref<640000xi32, #tpu.memory_space<hbm>> -> memref<800xi32, #tpu.memory_space<hbm>>
          %dma_wait3A_25 = tpu.memref_slice %arg4[%add3A_17] : memref<640000xi32, #tpu.memory_space<hbm>> -> memref<800xi32, #tpu.memory_space<hbm>>
          tpu.wait_dma2 semaphore(%run_scoped3A : memref<!tpu.dma_semaphore, #tpu.memory_space<semaphore_mem>>) src(%dma_wait3A_25 : memref<800xi32, #tpu.memory_space<hbm>>) dst(%arg6 : memref<800xi32, #tpu.memory_space<vmem>>)
          tpu.yield
        }) : () -> ()
        %dma_start3A = arith.constant 0 : i32
        %dma_start3A_18 = arith.constant 0 : i32
        %dma_start3A_19 = tpu.memref_slice %arg2[%dma_start3A, %dma_start3A_18] : memref<10000x128xf32, #tpu.memory_space<hbm>> -> memref<10000x128xf32, #tpu.memory_space<hbm>>
        tpu.enqueue_indirect_dma source(%dma_start3A_19 : memref<10000x128xf32, #tpu.memory_space<hbm>>) target(%arg7 : memref<800x128xf32, #tpu.memory_space<vmem>>) offsets(%arg6 : memref<800xi32, #tpu.memory_space<vmem>>) semaphore(%arg8 : memref<!tpu.dma_semaphore, #tpu.memory_space<semaphore_mem>>)
        %dma_wait3A = arith.constant 0 : i32
        %dma_wait3A_20 = arith.constant 0 : i32
        %dma_wait3A_21 = tpu.memref_slice %arg2[%dma_wait3A, %dma_wait3A_20] : memref<10000x128xf32, #tpu.memory_space<hbm>> -> memref<10000x128xf32, #tpu.memory_space<hbm>>
        tpu.wait_indirect_dma semaphore(%arg8 : memref<!tpu.dma_semaphore, #tpu.memory_space<semaphore_mem>>) src(%dma_wait3A_21 : memref<10000x128xf32, #tpu.memory_space<hbm>>) dst(%arg7 : memref<800x128xf32, #tpu.memory_space<vmem>>)
        "tpu.region"() ({
          %run_scoped3A = tpu.sem_alloc : memref<!tpu.dma_semaphore, #tpu.memory_space<semaphore_mem>>
          %dma_start3A_22 = arith.constant 0 : i32
          %dma_start3A_23 = tpu.memref_slice %arg5[%add3A_17, %dma_start3A_22] : memref<640000x128xf32, #tpu.memory_space<hbm>> -> memref<800x128xf32, #tpu.memory_space<hbm>>
          %dma_start3A_24 = arith.constant 0 : i32
          %dma_start3A_25 = tpu.memref_slice %arg5[%add3A_17, %dma_start3A_24] : memref<640000x128xf32, #tpu.memory_space<hbm>> -> memref<800x128xf32, #tpu.memory_space<hbm>>
          tpu.enqueue_dma source(%arg7 : memref<800x128xf32, #tpu.memory_space<vmem>>) target(%dma_start3A_25 : memref<800x128xf32, #tpu.memory_space<hbm>>) target_semaphore(%run_scoped3A : memref<!tpu.dma_semaphore, #tpu.memory_space<semaphore_mem>>)
          %dma_wait3A_26 = arith.constant 0 : i32
          %dma_wait3A_27 = tpu.memref_slice %arg5[%add3A_17, %dma_wait3A_26] : memref<640000x128xf32, #tpu.memory_space<hbm>> -> memref<800x128xf32, #tpu.memory_space<hbm>>
          %dma_wait3A_28 = arith.constant 0 : i32
          %dma_wait3A_29 = tpu.memref_slice %arg5[%add3A_17, %dma_wait3A_28] : memref<640000x128xf32, #tpu.memory_space<hbm>> -> memref<800x128xf32, #tpu.memory_space<hbm>>
          tpu.wait_dma2 semaphore(%run_scoped3A : memref<!tpu.dma_semaphore, #tpu.memory_space<semaphore_mem>>) src(%arg7 : memref<800x128xf32, #tpu.memory_space<vmem>>) dst(%dma_wait3A_29 : memref<800x128xf32, #tpu.memory_space<hbm>>)
          tpu.yield
        }) : () -> ()
      }
      %scan3A_13 = arith.constant 25 : i32
    } else {
    }
    %ge3A = arith.constant 16 : i32
    %ge3A_5 = arith.cmpi sge, %add3A, %ge3A : i32
    %convert_element_type3A_6 = arith.extui %ge3A_5 : i1 to i32
    %cond3A_7 = arith.constant 0 : i32
    %cond3A_8 = arith.cmpi ne, %convert_element_type3A_6, %cond3A_7 : i32
    scf.if %cond3A_8 {
      %scan3A = arith.constant 0 : i32
      %scan3A_9 = arith.constant 0 : i32
      %scan3A_10 = arith.constant 25 : i32
      %scan3A_11 = arith.addi %scan3A_9, %scan3A_10 : i32
      %scan3A_12 = arith.constant 1 : i32
      scf.for %scan3A_14 = %scan3A_9 to %scan3A_11 step %scan3A_12  : i32 {
        %mul3A_15 = arith.constant 800 : i32
        %mul3A_16 = arith.muli %scan3A_14, %mul3A_15 : i32
        %add3A_17 = arith.addi %mul3A_2, %mul3A_16 : i32
        "tpu.region"() ({
          %run_scoped3A = tpu.sem_alloc : memref<!tpu.dma_semaphore, #tpu.memory_space<semaphore_mem>>
          %dma_start3A_22 = tpu.memref_slice %arg4[%add3A_17] : memref<640000xi32, #tpu.memory_space<hbm>> -> memref<800xi32, #tpu.memory_space<hbm>>
          %dma_start3A_23 = tpu.memref_slice %arg4[%add3A_17] : memref<640000xi32, #tpu.memory_space<hbm>> -> memref<800xi32, #tpu.memory_space<hbm>>
          tpu.enqueue_dma source(%dma_start3A_23 : memref<800xi32, #tpu.memory_space<hbm>>) target(%arg6 : memref<800xi32, #tpu.memory_space<vmem>>) target_semaphore(%run_scoped3A : memref<!tpu.dma_semaphore, #tpu.memory_space<semaphore_mem>>)
          %dma_wait3A_24 = tpu.memref_slice %arg4[%add3A_17] : memref<640000xi32, #tpu.memory_space<hbm>> -> memref<800xi32, #tpu.memory_space<hbm>>
          %dma_wait3A_25 = tpu.memref_slice %arg4[%add3A_17] : memref<640000xi32, #tpu.memory_space<hbm>> -> memref<800xi32, #tpu.memory_space<hbm>>
          tpu.wait_dma2 semaphore(%run_scoped3A : memref<!tpu.dma_semaphore, #tpu.memory_space<semaphore_mem>>) src(%dma_wait3A_25 : memref<800xi32, #tpu.memory_space<hbm>>) dst(%arg6 : memref<800xi32, #tpu.memory_space<vmem>>)
          tpu.yield
        }) : () -> ()
        %dma_start3A = arith.constant 0 : i32
        %dma_start3A_18 = arith.constant 0 : i32
        %dma_start3A_19 = tpu.memref_slice %arg3[%dma_start3A, %dma_start3A_18] : memref<10000x128xf32, #tpu.memory_space<hbm>> -> memref<10000x128xf32, #tpu.memory_space<hbm>>
        tpu.enqueue_indirect_dma source(%dma_start3A_19 : memref<10000x128xf32, #tpu.memory_space<hbm>>) target(%arg7 : memref<800x128xf32, #tpu.memory_space<vmem>>) offsets(%arg6 : memref<800xi32, #tpu.memory_space<vmem>>) semaphore(%arg8 : memref<!tpu.dma_semaphore, #tpu.memory_space<semaphore_mem>>)
        %dma_wait3A = arith.constant 0 : i32
        %dma_wait3A_20 = arith.constant 0 : i32
        %dma_wait3A_21 = tpu.memref_slice %arg3[%dma_wait3A, %dma_wait3A_20] : memref<10000x128xf32, #tpu.memory_space<hbm>> -> memref<10000x128xf32, #tpu.memory_space<hbm>>
        tpu.wait_indirect_dma semaphore(%arg8 : memref<!tpu.dma_semaphore, #tpu.memory_space<semaphore_mem>>) src(%dma_wait3A_21 : memref<10000x128xf32, #tpu.memory_space<hbm>>) dst(%arg7 : memref<800x128xf32, #tpu.memory_space<vmem>>)
        "tpu.region"() ({
          %run_scoped3A = tpu.sem_alloc : memref<!tpu.dma_semaphore, #tpu.memory_space<semaphore_mem>>
          %dma_start3A_22 = arith.constant 0 : i32
          %dma_start3A_23 = tpu.memref_slice %arg5[%add3A_17, %dma_start3A_22] : memref<640000x128xf32, #tpu.memory_space<hbm>> -> memref<800x128xf32, #tpu.memory_space<hbm>>
          %dma_start3A_24 = arith.constant 0 : i32
          %dma_start3A_25 = tpu.memref_slice %arg5[%add3A_17, %dma_start3A_24] : memref<640000x128xf32, #tpu.memory_space<hbm>> -> memref<800x128xf32, #tpu.memory_space<hbm>>
          tpu.enqueue_dma source(%arg7 : memref<800x128xf32, #tpu.memory_space<vmem>>) target(%dma_start3A_25 : memref<800x128xf32, #tpu.memory_space<hbm>>) target_semaphore(%run_scoped3A : memref<!tpu.dma_semaphore, #tpu.memory_space<semaphore_mem>>)
          %dma_wait3A_26 = arith.constant 0 : i32
          %dma_wait3A_27 = tpu.memref_slice %arg5[%add3A_17, %dma_wait3A_26] : memref<640000x128xf32, #tpu.memory_space<hbm>> -> memref<800x128xf32, #tpu.memory_space<hbm>>
          %dma_wait3A_28 = arith.constant 0 : i32
          %dma_wait3A_29 = tpu.memref_slice %arg5[%add3A_17, %dma_wait3A_28] : memref<640000x128xf32, #tpu.memory_space<hbm>> -> memref<800x128xf32, #tpu.memory_space<hbm>>
          tpu.wait_dma2 semaphore(%run_scoped3A : memref<!tpu.dma_semaphore, #tpu.memory_space<semaphore_mem>>) src(%arg7 : memref<800x128xf32, #tpu.memory_space<vmem>>) dst(%dma_wait3A_29 : memref<800x128xf32, #tpu.memory_space<hbm>>)
          tpu.yield
        }) : () -> ()
      }
      %scan3A_13 = arith.constant 25 : i32
    } else {
    }
    return
  }
}

#map = affine_map<(d0, d1) -> (0, 0)>
#map1 = affine_map<(d0, d1) -> (0)>
module attributes {stable_mosaic.version = 14 : i64} {
  func.func @k(%arg0: i32, %arg1: i32, %arg2: memref<10000x128xf32, #tpu.memory_space<hbm>>, %arg3: memref<10000x128xf32, #tpu.memory_space<hbm>>, %arg4: memref<640000xi32, #tpu.memory_space<hbm>>, %arg5: memref<640000x128xf32, #tpu.memory_space<hbm>>, %arg6: memref<800xi32, #tpu.memory_space<vmem>>, %arg7: memref<800x128xf32, #tpu.memory_space<vmem>>, %arg8: memref<!tpu.dma_semaphore, #tpu.memory_space<semaphore_mem>>) attributes {dimension_semantics = [#tpu.dimension_semantics<core_parallel>, #tpu.dimension_semantics<subcore_parallel>], iteration_bounds = array<i64: 2, 16>, scalar_prefetch = 0 : i64, scratch_operands = 3 : i64, tpu.core_type = #tpu.core_type<sc_vector_subcore>, window_params = [{transform_indices = #map}, {transform_indices = #map}, {transform_indices = #map1}, {transform_indices = #map}]} {
    %mul3A = arith.constant 2 : i32
    %mul3A_0 = arith.muli %arg1, %mul3A : i32
    %add3A = arith.addi %mul3A_0, %arg0 : i32
    %mul3A_1 = arith.constant 20000 : i32
    %mul3A_2 = arith.muli %add3A, %mul3A_1 : i32
    %lt3A = arith.constant 16 : i32
    %lt3A_3 = arith.cmpi slt, %add3A, %lt3A : i32
    %convert_element_type3A = arith.extui %lt3A_3 : i1 to i32
    %cond3A = arith.constant 0 : i32
    %cond3A_4 = arith.cmpi ne, %convert_element_type3A, %cond3A : i32
    scf.if %cond3A_4 {
      %scan3A = arith.constant 0 : i32
      %scan3A_9 = arith.constant 0 : i32
      %scan3A_10 = arith.constant 25 : i32
      %scan3A_11 = arith.addi %scan3A_9, %scan3A_10 : i32
      %scan3A_12 = arith.constant 1 : i32
      scf.for %scan3A_14 = %scan3A_9 to %scan3A_11 step %scan3A_12  : i32 {
        %mul3A_15 = arith.constant 800 : i32
        %mul3A_16 = arith.muli %scan3A_14, %mul3A_15 : i32
        %add3A_17 = arith.addi %mul3A_2, %mul3A_16 : i32
        "tpu.region"() ({
          %run_scoped3A = tpu.sem_alloc : memref<!tpu.dma_semaphore, #tpu.memory_space<semaphore_mem>>
          %dma_start3A_22 = tpu.memref_slice %arg4[%add3A_17] : memref<640000xi32, #tpu.memory_space<hbm>> -> memref<800xi32, #tpu.memory_space<hbm>>
          %dma_start3A_23 = tpu.memref_slice %arg4[%add3A_17] : memref<640000xi32, #tpu.memory_space<hbm>> -> memref<800xi32, #tpu.memory_space<hbm>>
          tpu.enqueue_dma source(%dma_start3A_23 : memref<800xi32, #tpu.memory_space<hbm>>) target(%arg6 : memref<800xi32, #tpu.memory_space<vmem>>) target_semaphore(%run_scoped3A : memref<!tpu.dma_semaphore, #tpu.memory_space<semaphore_mem>>)
          %dma_wait3A_24 = tpu.memref_slice %arg4[%add3A_17] : memref<640000xi32, #tpu.memory_space<hbm>> -> memref<800xi32, #tpu.memory_space<hbm>>
          %dma_wait3A_25 = tpu.memref_slice %arg4[%add3A_17] : memref<640000xi32, #tpu.memory_space<hbm>> -> memref<800xi32, #tpu.memory_space<hbm>>
          tpu.wait_dma2 semaphore(%run_scoped3A : memref<!tpu.dma_semaphore, #tpu.memory_space<semaphore_mem>>) src(%dma_wait3A_25 : memref<800xi32, #tpu.memory_space<hbm>>) dst(%arg6 : memref<800xi32, #tpu.memory_space<vmem>>)
          tpu.yield
        }) : () -> ()
        %dma_start3A = arith.constant 0 : i32
        %dma_start3A_18 = arith.constant 0 : i32
        %dma_start3A_19 = tpu.memref_slice %arg2[%dma_start3A, %dma_start3A_18] : memref<10000x128xf32, #tpu.memory_space<hbm>> -> memref<10000x128xf32, #tpu.memory_space<hbm>>
        tpu.enqueue_indirect_dma source(%dma_start3A_19 : memref<10000x128xf32, #tpu.memory_space<hbm>>) target(%arg7 : memref<800x128xf32, #tpu.memory_space<vmem>>) offsets(%arg6 : memref<800xi32, #tpu.memory_space<vmem>>) semaphore(%arg8 : memref<!tpu.dma_semaphore, #tpu.memory_space<semaphore_mem>>)
        %dma_wait3A = arith.constant 0 : i32
        %dma_wait3A_20 = arith.constant 0 : i32
        %dma_wait3A_21 = tpu.memref_slice %arg2[%dma_wait3A, %dma_wait3A_20] : memref<10000x128xf32, #tpu.memory_space<hbm>> -> memref<10000x128xf32, #tpu.memory_space<hbm>>
        tpu.wait_indirect_dma semaphore(%arg8 : memref<!tpu.dma_semaphore, #tpu.memory_space<semaphore_mem>>) src(%dma_wait3A_21 : memref<10000x128xf32, #tpu.memory_space<hbm>>) dst(%arg7 : memref<800x128xf32, #tpu.memory_space<vmem>>)
        "tpu.region"() ({
          %run_scoped3A = tpu.sem_alloc : memref<!tpu.dma_semaphore, #tpu.memory_space<semaphore_mem>>
          %dma_start3A_22 = arith.constant 0 : i32
          %dma_start3A_23 = tpu.memref_slice %arg5[%add3A_17, %dma_start3A_22] : memref<640000x128xf32, #tpu.memory_space<hbm>> -> memref<800x128xf32, #tpu.memory_space<hbm>>
          %dma_start3A_24 = arith.constant 0 : i32
          %dma_start3A_25 = tpu.memref_slice %arg5[%add3A_17, %dma_start3A_24] : memref<640000x128xf32, #tpu.memory_space<hbm>> -> memref<800x128xf32, #tpu.memory_space<hbm>>
          tpu.enqueue_dma source(%arg7 : memref<800x128xf32, #tpu.memory_space<vmem>>) target(%dma_start3A_25 : memref<800x128xf32, #tpu.memory_space<hbm>>) target_semaphore(%run_scoped3A : memref<!tpu.dma_semaphore, #tpu.memory_space<semaphore_mem>>)
          %dma_wait3A_26 = arith.constant 0 : i32
          %dma_wait3A_27 = tpu.memref_slice %arg5[%add3A_17, %dma_wait3A_26] : memref<640000x128xf32, #tpu.memory_space<hbm>> -> memref<800x128xf32, #tpu.memory_space<hbm>>
          %dma_wait3A_28 = arith.constant 0 : i32
          %dma_wait3A_29 = tpu.memref_slice %arg5[%add3A_17, %dma_wait3A_28] : memref<640000x128xf32, #tpu.memory_space<hbm>> -> memref<800x128xf32, #tpu.memory_space<hbm>>
          tpu.wait_dma2 semaphore(%run_scoped3A : memref<!tpu.dma_semaphore, #tpu.memory_space<semaphore_mem>>) src(%arg7 : memref<800x128xf32, #tpu.memory_space<vmem>>) dst(%dma_wait3A_29 : memref<800x128xf32, #tpu.memory_space<hbm>>)
          tpu.yield
        }) : () -> ()
      }
      %scan3A_13 = arith.constant 25 : i32
    } else {
    }
    %ge3A = arith.constant 16 : i32
    %ge3A_5 = arith.cmpi sge, %add3A, %ge3A : i32
    %convert_element_type3A_6 = arith.extui %ge3A_5 : i1 to i32
    %cond3A_7 = arith.constant 0 : i32
    %cond3A_8 = arith.cmpi ne, %convert_element_type3A_6, %cond3A_7 : i32
    scf.if %cond3A_8 {
      %scan3A = arith.constant 0 : i32
      %scan3A_9 = arith.constant 0 : i32
      %scan3A_10 = arith.constant 25 : i32
      %scan3A_11 = arith.addi %scan3A_9, %scan3A_10 : i32
      %scan3A_12 = arith.constant 1 : i32
      scf.for %scan3A_14 = %scan3A_9 to %scan3A_11 step %scan3A_12  : i32 {
        %mul3A_15 = arith.constant 800 : i32
        %mul3A_16 = arith.muli %scan3A_14, %mul3A_15 : i32
        %add3A_17 = arith.addi %mul3A_2, %mul3A_16 : i32
        "tpu.region"() ({
          %run_scoped3A = tpu.sem_alloc : memref<!tpu.dma_semaphore, #tpu.memory_space<semaphore_mem>>
          %dma_start3A_22 = tpu.memref_slice %arg4[%add3A_17] : memref<640000xi32, #tpu.memory_space<hbm>> -> memref<800xi32, #tpu.memory_space<hbm>>
          %dma_start3A_23 = tpu.memref_slice %arg4[%add3A_17] : memref<640000xi32, #tpu.memory_space<hbm>> -> memref<800xi32, #tpu.memory_space<hbm>>
          tpu.enqueue_dma source(%dma_start3A_23 : memref<800xi32, #tpu.memory_space<hbm>>) target(%arg6 : memref<800xi32, #tpu.memory_space<vmem>>) target_semaphore(%run_scoped3A : memref<!tpu.dma_semaphore, #tpu.memory_space<semaphore_mem>>)
          %dma_wait3A_24 = tpu.memref_slice %arg4[%add3A_17] : memref<640000xi32, #tpu.memory_space<hbm>> -> memref<800xi32, #tpu.memory_space<hbm>>
          %dma_wait3A_25 = tpu.memref_slice %arg4[%add3A_17] : memref<640000xi32, #tpu.memory_space<hbm>> -> memref<800xi32, #tpu.memory_space<hbm>>
          tpu.wait_dma2 semaphore(%run_scoped3A : memref<!tpu.dma_semaphore, #tpu.memory_space<semaphore_mem>>) src(%dma_wait3A_25 : memref<800xi32, #tpu.memory_space<hbm>>) dst(%arg6 : memref<800xi32, #tpu.memory_space<vmem>>)
          tpu.yield
        }) : () -> ()
        %dma_start3A = arith.constant 0 : i32
        %dma_start3A_18 = arith.constant 0 : i32
        %dma_start3A_19 = tpu.memref_slice %arg3[%dma_start3A, %dma_start3A_18] : memref<10000x128xf32, #tpu.memory_space<hbm>> -> memref<10000x128xf32, #tpu.memory_space<hbm>>
        tpu.enqueue_indirect_dma source(%dma_start3A_19 : memref<10000x128xf32, #tpu.memory_space<hbm>>) target(%arg7 : memref<800x128xf32, #tpu.memory_space<vmem>>) offsets(%arg6 : memref<800xi32, #tpu.memory_space<vmem>>) semaphore(%arg8 : memref<!tpu.dma_semaphore, #tpu.memory_space<semaphore_mem>>)
        %dma_wait3A = arith.constant 0 : i32
        %dma_wait3A_20 = arith.constant 0 : i32
        %dma_wait3A_21 = tpu.memref_slice %arg3[%dma_wait3A, %dma_wait3A_20] : memref<10000x128xf32, #tpu.memory_space<hbm>> -> memref<10000x128xf32, #tpu.memory_space<hbm>>
        tpu.wait_indirect_dma semaphore(%arg8 : memref<!tpu.dma_semaphore, #tpu.memory_space<semaphore_mem>>) src(%dma_wait3A_21 : memref<10000x128xf32, #tpu.memory_space<hbm>>) dst(%arg7 : memref<800x128xf32, #tpu.memory_space<vmem>>)
        "tpu.region"() ({
          %run_scoped3A = tpu.sem_alloc : memref<!tpu.dma_semaphore, #tpu.memory_space<semaphore_mem>>
          %dma_start3A_22 = arith.constant 0 : i32
          %dma_start3A_23 = tpu.memref_slice %arg5[%add3A_17, %dma_start3A_22] : memref<640000x128xf32, #tpu.memory_space<hbm>> -> memref<800x128xf32, #tpu.memory_space<hbm>>
          %dma_start3A_24 = arith.constant 0 : i32
          %dma_start3A_25 = tpu.memref_slice %arg5[%add3A_17, %dma_start3A_24] : memref<640000x128xf32, #tpu.memory_space<hbm>> -> memref<800x128xf32, #tpu.memory_space<hbm>>
          tpu.enqueue_dma source(%arg7 : memref<800x128xf32, #tpu.memory_space<vmem>>) target(%dma_start3A_25 : memref<800x128xf32, #tpu.memory_space<hbm>>) target_semaphore(%run_scoped3A : memref<!tpu.dma_semaphore, #tpu.memory_space<semaphore_mem>>)
          %dma_wait3A_26 = arith.constant 0 : i32
          %dma_wait3A_27 = tpu.memref_slice %arg5[%add3A_17, %dma_wait3A_26] : memref<640000x128xf32, #tpu.memory_space<hbm>> -> memref<800x128xf32, #tpu.memory_space<hbm>>
          %dma_wait3A_28 = arith.constant 0 : i32
          %dma_wait3A_29 = tpu.memref_slice %arg5[%add3A_17, %dma_wait3A_28] : memref<640000x128xf32, #tpu.memory_space<hbm>> -> memref<800x128xf32, #tpu.memory_space<hbm>>
          tpu.wait_dma2 semaphore(%run_scoped3A : memref<!tpu.dma_semaphore, #tpu.memory_space<semaphore_mem>>) src(%arg7 : memref<800x128xf32, #tpu.memory_space<vmem>>) dst(%dma_wait3A_29 : memref<800x128xf32, #tpu.memory_space<hbm>>)
          tpu.yield
        }) : () -> ()
      }
      %scan3A_13 = arith.constant 25 : i32
    } else {
    }
    return
  }
}

#map = affine_map<(d0, d1) -> (0, 0)>
#map1 = affine_map<(d0, d1) -> (0)>
module attributes {stable_mosaic.version = 14 : i64} {
  func.func @k(%arg0: i32, %arg1: i32, %arg2: memref<64x640000xf32, #tpu.memory_space<hbm>>, %arg3: memref<640000xi32, #tpu.memory_space<hbm>>, %arg4: memref<256x10240xf32, #tpu.memory_space<hbm>>, %arg5: memref<1280xi32, #tpu.memory_space<vmem>>, %arg6: memref<8x1280xf32, #tpu.memory_space<vmem>>, %arg7: memref<81920xf32, #tpu.memory_space<vmem>>) attributes {dimension_semantics = [#tpu.dimension_semantics<core_parallel>, #tpu.dimension_semantics<subcore_parallel>], iteration_bounds = array<i64: 2, 16>, scalar_prefetch = 0 : i64, scratch_operands = 3 : i64, tpu.core_type = #tpu.core_type<sc_vector_subcore>, window_params = [{transform_indices = #map}, {transform_indices = #map1}, {transform_indices = #map}]} {
    %mul3A = arith.constant 2 : i32
    %mul3A_0 = arith.muli %arg1, %mul3A : i32
    %add3A = arith.addi %mul3A_0, %arg0 : i32
    %jit3A = arith.constant 8 : i32
    %div3A = arith.divsi %add3A, %jit3A : i32
    %sign3A = arith.constant 0 : i32
    %sign3A_1 = arith.cmpi sgt, %add3A, %sign3A : i32
    %sign3A_2 = arith.extui %sign3A_1 : i1 to i32
    %sign3A_3 = arith.constant 0 : i32
    %sign3A_4 = arith.cmpi slt, %add3A, %sign3A_3 : i32
    %sign3A_5 = arith.extui %sign3A_4 : i1 to i32
    %sign3A_6 = arith.subi %sign3A_2, %sign3A_5 : i32
    %sign3A_7 = arith.constant 0 : i32
    %sign3A_8 = arith.cmpi sgt, %jit3A, %sign3A_7 : i32
    %sign3A_9 = arith.extui %sign3A_8 : i1 to i32
    %sign3A_10 = arith.constant 0 : i32
    %sign3A_11 = arith.cmpi slt, %jit3A, %sign3A_10 : i32
    %sign3A_12 = arith.extui %sign3A_11 : i1 to i32
    %sign3A_13 = arith.subi %sign3A_9, %sign3A_12 : i32
    %ne3A = arith.cmpi ne, %sign3A_6, %sign3A_13 : i32
    %rem3A = arith.remsi %add3A, %jit3A : i32
    %ne3A_14 = arith.constant 0 : i32
    %ne3A_15 = arith.cmpi ne, %rem3A, %ne3A_14 : i32
    %and3A = arith.andi %ne3A, %ne3A_15 : i1
    %sub3A = arith.constant 1 : i32
    %sub3A_16 = arith.subi %div3A, %sub3A : i32
    %select_n3A = arith.select %and3A, %sub3A_16, %div3A : i32
    %jit3A_17 = arith.constant 8 : i32
    %eq3A = arith.constant 0 : i32
    %eq3A_18 = arith.cmpi eq, %jit3A_17, %eq3A : i32
    %jit3A_19 = arith.constant 1 : i32
    %select_n3A_20 = arith.select %eq3A_18, %jit3A_19, %jit3A_17 : i32
    %rem3A_21 = arith.remsi %add3A, %select_n3A_20 : i32
    %ne3A_22 = arith.constant 0 : i32
    %ne3A_23 = arith.cmpi ne, %rem3A_21, %ne3A_22 : i32
    %lt3A = arith.constant 0 : i32
    %lt3A_24 = arith.cmpi slt, %rem3A_21, %lt3A : i32
    %lt3A_25 = arith.constant 0 : i32
    %lt3A_26 = arith.cmpi slt, %select_n3A_20, %lt3A_25 : i32
    %ne3A_27 = arith.xori %lt3A_24, %lt3A_26 : i1
    %and3A_28 = arith.andi %ne3A_27, %ne3A_23 : i1
    %add3A_29 = arith.addi %rem3A_21, %select_n3A_20 : i32
    %select_n3A_30 = arith.select %and3A_28, %add3A_29, %rem3A_21 : i32
    %scan3A = arith.constant 0 : i32
    %scan3A_31 = arith.constant 0 : i32
    %scan3A_32 = arith.constant 5120 : i32
    %scan3A_33 = arith.addi %scan3A_31, %scan3A_32 : i32
    %scan3A_34 = arith.constant 1 : i32
    scf.for %scan3A_48 = %scan3A_31 to %scan3A_33 step %scan3A_34  : i32 {
      %broadcast_in_dim3A = arith.constant 0.000000e+00 : f32
      %broadcast_in_dim3A_49 = vector.broadcast %broadcast_in_dim3A : f32 to vector<16xf32>
      %mul3A_50 = arith.constant 16 : i32
      %mul3A_51 = arith.muli %scan3A_48, %mul3A_50 : i32
      %swap3A = arith.index_cast %mul3A_51 : i32 to index
      %swap3A_52 = tpu.vector_load %arg7[%swap3A] {strides = array<i32>} : memref<81920xf32, #tpu.memory_space<vmem>>, vector<16xf32>,
      tpu.vector_store %arg7[%swap3A], %broadcast_in_dim3A_49 {strides = array<i32>} : memref<81920xf32, #tpu.memory_space<vmem>>, vector<16xf32>,
    }
    %scan3A_35 = arith.constant 5120 : i32
    %scan3A_36 = arith.constant 0 : i32
    %scan3A_37 = arith.constant 0 : i32
    %scan3A_38 = arith.constant 125 : i32
    %scan3A_39 = arith.addi %scan3A_37, %scan3A_38 : i32
    %scan3A_40 = arith.constant 1 : i32
    scf.for %scan3A_48 = %scan3A_37 to %scan3A_39 step %scan3A_40  : i32 {
      %mul3A_49 = arith.constant 160000 : i32
      %mul3A_50 = arith.muli %select_n3A, %mul3A_49 : i32
      %mul3A_51 = arith.constant 1280 : i32
      %mul3A_52 = arith.muli %scan3A_48, %mul3A_51 : i32
      %add3A_53 = arith.addi %mul3A_50, %mul3A_52 : i32
      "tpu.region"() ({
        %run_scoped3A = tpu.sem_alloc : memref<!tpu.dma_semaphore, #tpu.memory_space<semaphore_mem>>
        %dma_start3A = tpu.memref_slice %arg3[%add3A_53] : memref<640000xi32, #tpu.memory_space<hbm>> -> memref<1280xi32, #tpu.memory_space<hbm>>
        %dma_start3A_62 = tpu.memref_slice %arg3[%add3A_53] : memref<640000xi32, #tpu.memory_space<hbm>> -> memref<1280xi32, #tpu.memory_space<hbm>>
        tpu.enqueue_dma source(%dma_start3A_62 : memref<1280xi32, #tpu.memory_space<hbm>>) target(%arg5 : memref<1280xi32, #tpu.memory_space<vmem>>) target_semaphore(%run_scoped3A : memref<!tpu.dma_semaphore, #tpu.memory_space<semaphore_mem>>)
        %dma_wait3A = tpu.memref_slice %arg3[%add3A_53] : memref<640000xi32, #tpu.memory_space<hbm>> -> memref<1280xi32, #tpu.memory_space<hbm>>
        %dma_wait3A_63 = tpu.memref_slice %arg3[%add3A_53] : memref<640000xi32, #tpu.memory_space<hbm>> -> memref<1280xi32, #tpu.memory_space<hbm>>
        tpu.wait_dma2 semaphore(%run_scoped3A : memref<!tpu.dma_semaphore, #tpu.memory_space<semaphore_mem>>) src(%dma_wait3A_63 : memref<1280xi32, #tpu.memory_space<hbm>>) dst(%arg5 : memref<1280xi32, #tpu.memory_space<vmem>>)
        tpu.yield
      }) : () -> ()
      %mul3A_54 = arith.constant 8 : i32
      %mul3A_55 = arith.muli %select_n3A_30, %mul3A_54 : i32
      "tpu.region"() ({
        %run_scoped3A = tpu.sem_alloc : memref<!tpu.dma_semaphore, #tpu.memory_space<semaphore_mem>>
        %dma_start3A = tpu.memref_slice %arg2[%mul3A_55, %add3A_53] : memref<64x640000xf32, #tpu.memory_space<hbm>> -> memref<8x1280xf32, #tpu.memory_space<hbm>>
        %dma_start3A_62 = tpu.memref_slice %arg2[%mul3A_55, %add3A_53] : memref<64x640000xf32, #tpu.memory_space<hbm>> -> memref<8x1280xf32, #tpu.memory_space<hbm>>
        tpu.enqueue_dma source(%dma_start3A_62 : memref<8x1280xf32, #tpu.memory_space<hbm>>) target(%arg6 : memref<8x1280xf32, #tpu.memory_space<vmem>>) target_semaphore(%run_scoped3A : memref<!tpu.dma_semaphore, #tpu.memory_space<semaphore_mem>>)
        %dma_wait3A = tpu.memref_slice %arg2[%mul3A_55, %add3A_53] : memref<64x640000xf32, #tpu.memory_space<hbm>> -> memref<8x1280xf32, #tpu.memory_space<hbm>>
        %dma_wait3A_63 = tpu.memref_slice %arg2[%mul3A_55, %add3A_53] : memref<64x640000xf32, #tpu.memory_space<hbm>> -> memref<8x1280xf32, #tpu.memory_space<hbm>>
        tpu.wait_dma2 semaphore(%run_scoped3A : memref<!tpu.dma_semaphore, #tpu.memory_space<semaphore_mem>>) src(%dma_wait3A_63 : memref<8x1280xf32, #tpu.memory_space<hbm>>) dst(%arg6 : memref<8x1280xf32, #tpu.memory_space<vmem>>)
        tpu.yield
      }) : () -> ()
      %scan3A_56 = arith.constant 0 : i32
      %scan3A_57 = arith.constant 0 : i32
      %scan3A_58 = arith.constant 80 : i32
      %scan3A_59 = arith.addi %scan3A_57, %scan3A_58 : i32
      %scan3A_60 = arith.constant 1 : i32
      scf.for %scan3A_62 = %scan3A_57 to %scan3A_59 step %scan3A_60  : i32 {
        %mul3A_63 = arith.constant 16 : i32
        %mul3A_64 = arith.muli %scan3A_62, %mul3A_63 : i32
        %get3A = arith.index_cast %mul3A_64 : i32 to index
        %get3A_65 = tpu.vector_load %arg5[%get3A] {strides = array<i32>} : memref<1280xi32, #tpu.memory_space<vmem>>, vector<16xi32>,
        %add3A_66 = arith.constant 0 : i32
        %add3A_67 = vector.broadcast %add3A_66 : i32 to vector<16xi32>
        %add3A_68 = arith.addi %get3A_65, %add3A_67 : vector<16xi32>
        %mul3A_69 = arith.constant 16 : i32
        %mul3A_70 = arith.muli %scan3A_62, %mul3A_69 : i32
        %get3A_71 = arith.constant 0 : i32
        %get3A_72 = arith.index_cast %get3A_71 : i32 to index
        %get3A_73 = arith.index_cast %mul3A_70 : i32 to index
        %get3A_74 = tpu.vector_load %arg6[%get3A_72, %get3A_73] {strides = array<i32>} : memref<8x1280xf32, #tpu.memory_space<vmem>>, vector<16xf32>,
        tpu.vector_store_idx %arg7[%add3A_68], %get3A_74 {add = true} : memref<81920xf32, #tpu.memory_space<vmem>>[vector<16xi32>], vector<16xf32>,
        %add3A_75 = arith.constant 10240 : i32
        %add3A_76 = vector.broadcast %add3A_75 : i32 to vector<16xi32>
        %add3A_77 = arith.addi %get3A_65, %add3A_76 : vector<16xi32>
        %mul3A_78 = arith.constant 16 : i32
        %mul3A_79 = arith.muli %scan3A_62, %mul3A_78 : i32
        %get3A_80 = arith.constant 1 : i32
        %get3A_81 = arith.index_cast %get3A_80 : i32 to index
        %get3A_82 = arith.index_cast %mul3A_79 : i32 to index
        %get3A_83 = tpu.vector_load %arg6[%get3A_81, %get3A_82] {strides = array<i32>} : memref<8x1280xf32, #tpu.memory_space<vmem>>, vector<16xf32>,
        tpu.vector_store_idx %arg7[%add3A_77], %get3A_83 {add = true} : memref<81920xf32, #tpu.memory_space<vmem>>[vector<16xi32>], vector<16xf32>,
        %add3A_84 = arith.constant 20480 : i32
        %add3A_85 = vector.broadcast %add3A_84 : i32 to vector<16xi32>
        %add3A_86 = arith.addi %get3A_65, %add3A_85 : vector<16xi32>
        %mul3A_87 = arith.constant 16 : i32
        %mul3A_88 = arith.muli %scan3A_62, %mul3A_87 : i32
        %get3A_89 = arith.constant 2 : i32
        %get3A_90 = arith.index_cast %get3A_89 : i32 to index
        %get3A_91 = arith.index_cast %mul3A_88 : i32 to index
        %get3A_92 = tpu.vector_load %arg6[%get3A_90, %get3A_91] {strides = array<i32>} : memref<8x1280xf32, #tpu.memory_space<vmem>>, vector<16xf32>,
        tpu.vector_store_idx %arg7[%add3A_86], %get3A_92 {add = true} : memref<81920xf32, #tpu.memory_space<vmem>>[vector<16xi32>], vector<16xf32>,
        %add3A_93 = arith.constant 30720 : i32
        %add3A_94 = vector.broadcast %add3A_93 : i32 to vector<16xi32>
        %add3A_95 = arith.addi %get3A_65, %add3A_94 : vector<16xi32>
        %mul3A_96 = arith.constant 16 : i32
        %mul3A_97 = arith.muli %scan3A_62, %mul3A_96 : i32
        %get3A_98 = arith.constant 3 : i32
        %get3A_99 = arith.index_cast %get3A_98 : i32 to index
        %get3A_100 = arith.index_cast %mul3A_97 : i32 to index
        %get3A_101 = tpu.vector_load %arg6[%get3A_99, %get3A_100] {strides = array<i32>} : memref<8x1280xf32, #tpu.memory_space<vmem>>, vector<16xf32>,
        tpu.vector_store_idx %arg7[%add3A_95], %get3A_101 {add = true} : memref<81920xf32, #tpu.memory_space<vmem>>[vector<16xi32>], vector<16xf32>,
        %add3A_102 = arith.constant 40960 : i32
        %add3A_103 = vector.broadcast %add3A_102 : i32 to vector<16xi32>
        %add3A_104 = arith.addi %get3A_65, %add3A_103 : vector<16xi32>
        %mul3A_105 = arith.constant 16 : i32
        %mul3A_106 = arith.muli %scan3A_62, %mul3A_105 : i32
        %get3A_107 = arith.constant 4 : i32
        %get3A_108 = arith.index_cast %get3A_107 : i32 to index
        %get3A_109 = arith.index_cast %mul3A_106 : i32 to index
        %get3A_110 = tpu.vector_load %arg6[%get3A_108, %get3A_109] {strides = array<i32>} : memref<8x1280xf32, #tpu.memory_space<vmem>>, vector<16xf32>,
        tpu.vector_store_idx %arg7[%add3A_104], %get3A_110 {add = true} : memref<81920xf32, #tpu.memory_space<vmem>>[vector<16xi32>], vector<16xf32>,
        %add3A_111 = arith.constant 51200 : i32
        %add3A_112 = vector.broadcast %add3A_111 : i32 to vector<16xi32>
        %add3A_113 = arith.addi %get3A_65, %add3A_112 : vector<16xi32>
        %mul3A_114 = arith.constant 16 : i32
        %mul3A_115 = arith.muli %scan3A_62, %mul3A_114 : i32
        %get3A_116 = arith.constant 5 : i32
        %get3A_117 = arith.index_cast %get3A_116 : i32 to index
        %get3A_118 = arith.index_cast %mul3A_115 : i32 to index
        %get3A_119 = tpu.vector_load %arg6[%get3A_117, %get3A_118] {strides = array<i32>} : memref<8x1280xf32, #tpu.memory_space<vmem>>, vector<16xf32>,
        tpu.vector_store_idx %arg7[%add3A_113], %get3A_119 {add = true} : memref<81920xf32, #tpu.memory_space<vmem>>[vector<16xi32>], vector<16xf32>,
        %add3A_120 = arith.constant 61440 : i32
        %add3A_121 = vector.broadcast %add3A_120 : i32 to vector<16xi32>
        %add3A_122 = arith.addi %get3A_65, %add3A_121 : vector<16xi32>
        %mul3A_123 = arith.constant 16 : i32
        %mul3A_124 = arith.muli %scan3A_62, %mul3A_123 : i32
        %get3A_125 = arith.constant 6 : i32
        %get3A_126 = arith.index_cast %get3A_125 : i32 to index
        %get3A_127 = arith.index_cast %mul3A_124 : i32 to index
        %get3A_128 = tpu.vector_load %arg6[%get3A_126, %get3A_127] {strides = array<i32>} : memref<8x1280xf32, #tpu.memory_space<vmem>>, vector<16xf32>,
        tpu.vector_store_idx %arg7[%add3A_122], %get3A_128 {add = true} : memref<81920xf32, #tpu.memory_space<vmem>>[vector<16xi32>], vector<16xf32>,
        %add3A_129 = arith.constant 71680 : i32
        %add3A_130 = vector.broadcast %add3A_129 : i32 to vector<16xi32>
        %add3A_131 = arith.addi %get3A_65, %add3A_130 : vector<16xi32>
        %mul3A_132 = arith.constant 16 : i32
        %mul3A_133 = arith.muli %scan3A_62, %mul3A_132 : i32
        %get3A_134 = arith.constant 7 : i32
        %get3A_135 = arith.index_cast %get3A_134 : i32 to index
        %get3A_136 = arith.index_cast %mul3A_133 : i32 to index
        %get3A_137 = tpu.vector_load %arg6[%get3A_135, %get3A_136] {strides = array<i32>} : memref<8x1280xf32, #tpu.memory_space<vmem>>, vector<16xf32>,
        tpu.vector_store_idx %arg7[%add3A_131], %get3A_137 {add = true} : memref<81920xf32, #tpu.memory_space<vmem>>[vector<16xi32>], vector<16xf32>,
      }
      %scan3A_61 = arith.constant 80 : i32
    }
    %scan3A_41 = arith.constant 125 : i32
    %scan3A_42 = arith.constant 0 : i32
    %scan3A_43 = arith.constant 0 : i32
    %scan3A_44 = arith.constant 8 : i32
    %scan3A_45 = arith.addi %scan3A_43, %scan3A_44 : i32
    %scan3A_46 = arith.constant 1 : i32
    scf.for %scan3A_48 = %scan3A_43 to %scan3A_45 step %scan3A_46  : i32 {
      %scan3A_49 = arith.constant 0 : i32
      %scan3A_50 = arith.constant 0 : i32
      %scan3A_51 = arith.constant 640 : i32
      %scan3A_52 = arith.addi %scan3A_50, %scan3A_51 : i32
      %scan3A_53 = arith.constant 1 : i32
      scf.for %scan3A_62 = %scan3A_50 to %scan3A_52 step %scan3A_53  : i32 {
        %jit3A_63 = arith.constant 8 : i32
        %eq3A_64 = arith.constant 0 : i32
        %eq3A_65 = arith.cmpi eq, %jit3A_63, %eq3A_64 : i32
        %jit3A_66 = arith.constant 1 : i32
        %select_n3A_67 = arith.select %eq3A_65, %jit3A_66, %jit3A_63 : i32
        %rem3A_68 = arith.remsi %scan3A_62, %select_n3A_67 : i32
        %ne3A_69 = arith.constant 0 : i32
        %ne3A_70 = arith.cmpi ne, %rem3A_68, %ne3A_69 : i32
        %lt3A_71 = arith.constant 0 : i32
        %lt3A_72 = arith.cmpi slt, %rem3A_68, %lt3A_71 : i32
        %lt3A_73 = arith.constant 0 : i32
        %lt3A_74 = arith.cmpi slt, %select_n3A_67, %lt3A_73 : i32
        %ne3A_75 = arith.xori %lt3A_72, %lt3A_74 : i1
        %and3A_76 = arith.andi %ne3A_75, %ne3A_70 : i1
        %add3A_77 = arith.addi %rem3A_68, %select_n3A_67 : i32
        %select_n3A_78 = arith.select %and3A_76, %add3A_77, %rem3A_68 : i32
        %mul3A_79 = arith.constant 10240 : i32
        %mul3A_80 = arith.muli %select_n3A_78, %mul3A_79 : i32
        %mul3A_81 = arith.constant 1280 : i32
        %mul3A_82 = arith.muli %scan3A_48, %mul3A_81 : i32
        %add3A_83 = arith.addi %mul3A_80, %mul3A_82 : i32
        %jit3A_84 = arith.constant 8 : i32
        %div3A_85 = arith.divsi %scan3A_62, %jit3A_84 : i32
        %sign3A_86 = arith.constant 0 : i32
        %sign3A_87 = arith.cmpi sgt, %scan3A_62, %sign3A_86 : i32
        %sign3A_88 = arith.extui %sign3A_87 : i1 to i32
        %sign3A_89 = arith.constant 0 : i32
        %sign3A_90 = arith.cmpi slt, %scan3A_62, %sign3A_89 : i32
        %sign3A_91 = arith.extui %sign3A_90 : i1 to i32
        %sign3A_92 = arith.subi %sign3A_88, %sign3A_91 : i32
        %sign3A_93 = arith.constant 0 : i32
        %sign3A_94 = arith.cmpi sgt, %jit3A_84, %sign3A_93 : i32
        %sign3A_95 = arith.extui %sign3A_94 : i1 to i32
        %sign3A_96 = arith.constant 0 : i32
        %sign3A_97 = arith.cmpi slt, %jit3A_84, %sign3A_96 : i32
        %sign3A_98 = arith.extui %sign3A_97 : i1 to i32
        %sign3A_99 = arith.subi %sign3A_95, %sign3A_98 : i32
        %ne3A_100 = arith.cmpi ne, %sign3A_92, %sign3A_99 : i32
        %rem3A_101 = arith.remsi %scan3A_62, %jit3A_84 : i32
        %ne3A_102 = arith.constant 0 : i32
        %ne3A_103 = arith.cmpi ne, %rem3A_101, %ne3A_102 : i32
        %and3A_104 = arith.andi %ne3A_100, %ne3A_103 : i1
        %sub3A_105 = arith.constant 1 : i32
        %sub3A_106 = arith.subi %div3A_85, %sub3A_105 : i32
        %select_n3A_107 = arith.select %and3A_104, %sub3A_106, %div3A_85 : i32
        %mul3A_108 = arith.constant 16 : i32
        %mul3A_109 = arith.muli %select_n3A_107, %mul3A_108 : i32
        %add3A_110 = arith.addi %add3A_83, %mul3A_109 : i32
        %get3A = arith.index_cast %add3A_110 : i32 to index
        %get3A_111 = tpu.vector_load %arg7[%get3A] {strides = array<i32>} : memref<81920xf32, #tpu.memory_space<vmem>>, vector<16xf32>,
        %jit3A_112 = arith.constant 8 : i32
        %eq3A_113 = arith.constant 0 : i32
        %eq3A_114 = arith.cmpi eq, %jit3A_112, %eq3A_113 : i32
        %jit3A_115 = arith.constant 1 : i32
        %select_n3A_116 = arith.select %eq3A_114, %jit3A_115, %jit3A_112 : i32
        %rem3A_117 = arith.remsi %scan3A_62, %select_n3A_116 : i32
        %ne3A_118 = arith.constant 0 : i32
        %ne3A_119 = arith.cmpi ne, %rem3A_117, %ne3A_118 : i32
        %lt3A_120 = arith.constant 0 : i32
        %lt3A_121 = arith.cmpi slt, %rem3A_117, %lt3A_120 : i32
        %lt3A_122 = arith.constant 0 : i32
        %lt3A_123 = arith.cmpi slt, %select_n3A_116, %lt3A_122 : i32
        %ne3A_124 = arith.xori %lt3A_121, %lt3A_123 : i1
        %and3A_125 = arith.andi %ne3A_124, %ne3A_119 : i1
        %add3A_126 = arith.addi %rem3A_117, %select_n3A_116 : i32
        %select_n3A_127 = arith.select %and3A_125, %add3A_126, %rem3A_117 : i32
        %jit3A_128 = arith.constant 8 : i32
        %div3A_129 = arith.divsi %scan3A_62, %jit3A_128 : i32
        %sign3A_130 = arith.constant 0 : i32
        %sign3A_131 = arith.cmpi sgt, %scan3A_62, %sign3A_130 : i32
        %sign3A_132 = arith.extui %sign3A_131 : i1 to i32
        %sign3A_133 = arith.constant 0 : i32
        %sign3A_134 = arith.cmpi slt, %scan3A_62, %sign3A_133 : i32
        %sign3A_135 = arith.extui %sign3A_134 : i1 to i32
        %sign3A_136 = arith.subi %sign3A_132, %sign3A_135 : i32
        %sign3A_137 = arith.constant 0 : i32
        %sign3A_138 = arith.cmpi sgt, %jit3A_128, %sign3A_137 : i32
        %sign3A_139 = arith.extui %sign3A_138 : i1 to i32
        %sign3A_140 = arith.constant 0 : i32
        %sign3A_141 = arith.cmpi slt, %jit3A_128, %sign3A_140 : i32
        %sign3A_142 = arith.extui %sign3A_141 : i1 to i32
        %sign3A_143 = arith.subi %sign3A_139, %sign3A_142 : i32
        %ne3A_144 = arith.cmpi ne, %sign3A_136, %sign3A_143 : i32
        %rem3A_145 = arith.remsi %scan3A_62, %jit3A_128 : i32
        %ne3A_146 = arith.constant 0 : i32
        %ne3A_147 = arith.cmpi ne, %rem3A_145, %ne3A_146 : i32
        %and3A_148 = arith.andi %ne3A_144, %ne3A_147 : i1
        %sub3A_149 = arith.constant 1 : i32
        %sub3A_150 = arith.subi %div3A_129, %sub3A_149 : i32
        %select_n3A_151 = arith.select %and3A_148, %sub3A_150, %div3A_129 : i32
        %mul3A_152 = arith.constant 16 : i32
        %mul3A_153 = arith.muli %select_n3A_151, %mul3A_152 : i32
        %swap3A = arith.index_cast %select_n3A_127 : i32 to index
        %swap3A_154 = arith.index_cast %mul3A_153 : i32 to index
        %swap3A_155 = tpu.vector_load %arg6[%swap3A, %swap3A_154] {strides = array<i32>} : memref<8x1280xf32, #tpu.memory_space<vmem>>, vector<16xf32>,
        tpu.vector_store %arg6[%swap3A, %swap3A_154], %get3A_111 {strides = array<i32>} : memref<8x1280xf32, #tpu.memory_space<vmem>>, vector<16xf32>,
      }
      %scan3A_54 = arith.constant 640 : i32
      %mul3A_55 = arith.constant 64 : i32
      %mul3A_56 = arith.muli %select_n3A, %mul3A_55 : i32
      %mul3A_57 = arith.constant 8 : i32
      %mul3A_58 = arith.muli %select_n3A_30, %mul3A_57 : i32
      %add3A_59 = arith.addi %mul3A_56, %mul3A_58 : i32
      %mul3A_60 = arith.constant 1280 : i32
      %mul3A_61 = arith.muli %scan3A_48, %mul3A_60 : i32
      "tpu.region"() ({
        %run_scoped3A = tpu.sem_alloc : memref<!tpu.dma_semaphore, #tpu.memory_space<semaphore_mem>>
        %dma_start3A = tpu.memref_slice %arg4[%add3A_59, %mul3A_61] : memref<256x10240xf32, #tpu.memory_space<hbm>> -> memref<8x1280xf32, #tpu.memory_space<hbm>>
        %dma_start3A_62 = tpu.memref_slice %arg4[%add3A_59, %mul3A_61] : memref<256x10240xf32, #tpu.memory_space<hbm>> -> memref<8x1280xf32, #tpu.memory_space<hbm>>
        tpu.enqueue_dma source(%arg6 : memref<8x1280xf32, #tpu.memory_space<vmem>>) target(%dma_start3A_62 : memref<8x1280xf32, #tpu.memory_space<hbm>>) target_semaphore(%run_scoped3A : memref<!tpu.dma_semaphore, #tpu.memory_space<semaphore_mem>>)
        %dma_wait3A = tpu.memref_slice %arg4[%add3A_59, %mul3A_61] : memref<256x10240xf32, #tpu.memory_space<hbm>> -> memref<8x1280xf32, #tpu.memory_space<hbm>>
        %dma_wait3A_63 = tpu.memref_slice %arg4[%add3A_59, %mul3A_61] : memref<256x10240xf32, #tpu.memory_space<hbm>> -> memref<8x1280xf32, #tpu.memory_space<hbm>>
        tpu.wait_dma2 semaphore(%run_scoped3A : memref<!tpu.dma_semaphore, #tpu.memory_space<semaphore_mem>>) src(%arg6 : memref<8x1280xf32, #tpu.memory_space<vmem>>) dst(%dma_wait3A_63 : memref<8x1280xf32, #tpu.memory_space<hbm>>)
        tpu.yield
      }) : () -> ()
    }
    %scan3A_47 = arith.constant 8 : i32
    return
  }
}

module attributes {stable_mosaic.version = 14 : i64} {
  func.func @_encoder_body(%arg0: i32, %arg1: memref<1000x128xf32, #tpu.memory_space<vmem>>, %arg2: memref<128x64xf32, #tpu.memory_space<vmem>>, %arg3: memref<1x64xf32, #tpu.memory_space<vmem>>, %arg4: memref<64x64xf32, #tpu.memory_space<vmem>>, %arg5: memref<1x64xf32, #tpu.memory_space<vmem>>, %arg6: memref<64x128xf32, #tpu.memory_space<vmem>>, %arg7: memref<1000x64xf32, #tpu.memory_space<vmem>>, %arg8: memref<1000x128xf32, #tpu.memory_space<vmem>>) attributes {dimension_semantics = [#tpu.dimension_semantics<arbitrary>], iteration_bounds = array<i64: 10>, scalar_prefetch = 0 : i64, scratch_operands = 0 : i64, tpu.core_type = #tpu.core_type<tc>, window_params = [{transform_indices = @transform_0, window_bounds = array<i64: 1000, 128>}, {pipeline_mode = #tpu.pipeline_mode<synchronous>, transform_indices = @transform_1, window_bounds = array<i64: 128, 64>}, {pipeline_mode = #tpu.pipeline_mode<synchronous>, transform_indices = @transform_2, window_bounds = array<i64: 1, 64>}, {pipeline_mode = #tpu.pipeline_mode<synchronous>, transform_indices = @transform_3, window_bounds = array<i64: 64, 64>}, {pipeline_mode = #tpu.pipeline_mode<synchronous>, transform_indices = @transform_4, window_bounds = array<i64: 1, 64>}, {pipeline_mode = #tpu.pipeline_mode<synchronous>, transform_indices = @transform_5, window_bounds = array<i64: 64, 128>}, {transform_indices = @transform_6, window_bounds = array<i64: 1000, 64>}, {transform_indices = @transform_7, window_bounds = array<i64: 1000, 128>}]} {
    %get3A = arith.constant 0 : index
    %get3A_0 = arith.constant 0 : index
    %get3A_1 = vector.load %arg1[%get3A, %get3A_0] : memref<1000x128xf32, #tpu.memory_space<vmem>>, vector<1000x128xf32>
    %get3A_2 = arith.constant 0 : index
    %get3A_3 = arith.constant 0 : index
    %get3A_4 = vector.load %arg2[%get3A_2, %get3A_3] : memref<128x64xf32, #tpu.memory_space<vmem>>, vector<128x64xf32>
    %dot_general3A = arith.constant dense<0.000000e+00> : vector<1000x64xf32>
    %dot_general3A_5 = tpu.matmul %get3A_1, %get3A_4, %dot_general3A {dimension_numbers = #tpu.dot_dimension_numbers<[1], [0], [0], [1], [0, 0, 1, 1], [], []>, transpose_lhs_hint = false} : vector<1000x128xf32>, vector<128x64xf32>, vector<1000x64xf32> -> vector<1000x64xf32>
    %get3A_6 = arith.constant 0 : index
    %get3A_7 = arith.constant 0 : index
    %get3A_8 = vector.load %arg3[%get3A_6, %get3A_7] : memref<1x64xf32, #tpu.memory_space<vmem>>, vector<1x64xf32>
    %add3A = vector.broadcast %get3A_8 : vector<1x64xf32> to vector<1000x64xf32>
    %add3A_9 = arith.addf %dot_general3A_5, %add3A : vector<1000x64xf32>
    %max3A = arith.constant 0.000000e+00 : f32
    %max3A_10 = vector.broadcast %max3A : f32 to vector<1000x64xf32>
    %max3A_11 = arith.maximumf %add3A_9, %max3A_10 : vector<1000x64xf32>
    %get3A_12 = arith.constant 0 : index
    %get3A_13 = arith.constant 0 : index
    %get3A_14 = vector.load %arg4[%get3A_12, %get3A_13] : memref<64x64xf32, #tpu.memory_space<vmem>>, vector<64x64xf32>
    %dot_general3A_15 = arith.constant dense<0.000000e+00> : vector<1000x64xf32>
    %dot_general3A_16 = tpu.matmul %max3A_11, %get3A_14, %dot_general3A_15 {dimension_numbers = #tpu.dot_dimension_numbers<[1], [0], [0], [1], [0, 0, 1, 1], [], []>, transpose_lhs_hint = false} : vector<1000x64xf32>, vector<64x64xf32>, vector<1000x64xf32> -> vector<1000x64xf32>
    %get3A_17 = arith.constant 0 : index
    %get3A_18 = arith.constant 0 : index
    %get3A_19 = vector.load %arg5[%get3A_17, %get3A_18] : memref<1x64xf32, #tpu.memory_space<vmem>>, vector<1x64xf32>
    %add3A_20 = vector.broadcast %get3A_19 : vector<1x64xf32> to vector<1000x64xf32>
    %add3A_21 = arith.addf %dot_general3A_16, %add3A_20 : vector<1000x64xf32>
    %max3A_22 = arith.constant 0.000000e+00 : f32
    %max3A_23 = vector.broadcast %max3A_22 : f32 to vector<1000x64xf32>
    %max3A_24 = arith.maximumf %add3A_21, %max3A_23 : vector<1000x64xf32>
    %swap3A = arith.constant 0 : index
    %swap3A_25 = arith.constant 0 : index
    %swap3A_26 = vector.load %arg7[%swap3A, %swap3A_25] : memref<1000x64xf32, #tpu.memory_space<vmem>>, vector<1000x64xf32>
    tpu.vector_store %arg7[%swap3A, %swap3A_25], %max3A_24 {strides = array<i32>} : memref<1000x64xf32, #tpu.memory_space<vmem>>, vector<1000x64xf32>,
    %get3A_27 = arith.constant 0 : index
    %get3A_28 = arith.constant 0 : index
    %get3A_29 = vector.load %arg6[%get3A_27, %get3A_28] : memref<64x128xf32, #tpu.memory_space<vmem>>, vector<64x128xf32>
    %dot_general3A_30 = arith.constant dense<0.000000e+00> : vector<1000x128xf32>
    %dot_general3A_31 = tpu.matmul %max3A_24, %get3A_29, %dot_general3A_30 {dimension_numbers = #tpu.dot_dimension_numbers<[1], [0], [0], [1], [0, 0, 1, 1], [], []>, transpose_lhs_hint = false} : vector<1000x64xf32>, vector<64x128xf32>, vector<1000x128xf32> -> vector<1000x128xf32>
    %swap3A_32 = arith.constant 0 : index
    %swap3A_33 = arith.constant 0 : index
    %swap3A_34 = vector.load %arg8[%swap3A_32, %swap3A_33] : memref<1000x128xf32, #tpu.memory_space<vmem>>, vector<1000x128xf32>
    tpu.vector_store %arg8[%swap3A_32, %swap3A_33], %dot_general3A_31 {strides = array<i32>} : memref<1000x128xf32, #tpu.memory_space<vmem>>, vector<1000x128xf32>,
    return
  }
  func.func @transform_0(%arg0: i32) -> (i32, i32) {
    %c0_i32 = arith.constant 0 : i32
    %c0_i32_0 = arith.constant 0 : i32
    return %arg0, %c0_i32 : i32, i32
  }
  func.func @transform_1(%arg0: i32) -> (i32, i32) {
    %c0_i32 = arith.constant 0 : i32
    %c0_i32_0 = arith.constant 0 : i32
    %c0_i32_1 = arith.constant 0 : i32
    return %c0_i32, %c0_i32_0 : i32, i32
  }
  func.func @transform_2(%arg0: i32) -> (i32, i32) {
    %c0_i32 = arith.constant 0 : i32
    %c0_i32_0 = arith.constant 0 : i32
    %c0_i32_1 = arith.constant 0 : i32
    return %c0_i32, %c0_i32_0 : i32, i32
  }
  func.func @transform_3(%arg0: i32) -> (i32, i32) {
    %c0_i32 = arith.constant 0 : i32
    %c0_i32_0 = arith.constant 0 : i32
    %c0_i32_1 = arith.constant 0 : i32
    return %c0_i32, %c0_i32_0 : i32, i32
  }
  func.func @transform_4(%arg0: i32) -> (i32, i32) {
    %c0_i32 = arith.constant 0 : i32
    %c0_i32_0 = arith.constant 0 : i32
    %c0_i32_1 = arith.constant 0 : i32
    return %c0_i32, %c0_i32_0 : i32, i32
  }
  func.func @transform_5(%arg0: i32) -> (i32, i32) {
    %c0_i32 = arith.constant 0 : i32
    %c0_i32_0 = arith.constant 0 : i32
    %c0_i32_1 = arith.constant 0 : i32
    return %c0_i32, %c0_i32_0 : i32, i32
  }
  func.func @transform_6(%arg0: i32) -> (i32, i32) {
    %c0_i32 = arith.constant 0 : i32
    %c0_i32_0 = arith.constant 0 : i32
    return %arg0, %c0_i32 : i32, i32
  }
  func.func @transform_7(%arg0: i32) -> (i32, i32) {
    %c0_i32 = arith.constant 0 : i32
    %c0_i32_0 = arith.constant 0 : i32
    return %arg0, %c0_i32 : i32, i32
  }
}

module attributes {stable_mosaic.version = 14 : i64} {
  func.func @_edge_mlp_body(%arg0: i32, %arg1: i32, %arg2: memref<2560x128xf32, #tpu.memory_space<vmem>>, %arg3: memref<2560x128xf32, #tpu.memory_space<vmem>>, %arg4: memref<128x64xf32, #tpu.memory_space<vmem>>, %arg5: memref<128x64xf32, #tpu.memory_space<vmem>>, %arg6: memref<1x64xf32, #tpu.memory_space<vmem>>, %arg7: memref<3x64x64xf32, #tpu.memory_space<vmem>>, %arg8: memref<3x1x64xf32, #tpu.memory_space<vmem>>, %arg9: memref<64x64xf32, #tpu.memory_space<vmem>>, %arg10: memref<64x2560xf32, #tpu.memory_space<vmem>>) attributes {dimension_semantics = [#tpu.dimension_semantics<arbitrary>, #tpu.dimension_semantics<arbitrary>], iteration_bounds = array<i64: 125, 2>, scalar_prefetch = 0 : i64, scratch_operands = 0 : i64, tpu.core_type = #tpu.core_type<tc>, window_params = [{transform_indices = @transform_0, window_bounds = array<i64: 2560, 128>}, {transform_indices = @transform_1, window_bounds = array<i64: 2560, 128>}, {pipeline_mode = #tpu.pipeline_mode<synchronous>, transform_indices = @transform_2, window_bounds = array<i64: 128, 64>}, {pipeline_mode = #tpu.pipeline_mode<synchronous>, transform_indices = @transform_3, window_bounds = array<i64: 128, 64>}, {pipeline_mode = #tpu.pipeline_mode<synchronous>, transform_indices = @transform_4, window_bounds = array<i64: 1, 64>}, {pipeline_mode = #tpu.pipeline_mode<synchronous>, transform_indices = @transform_5, window_bounds = array<i64: 3, 64, 64>}, {pipeline_mode = #tpu.pipeline_mode<synchronous>, transform_indices = @transform_6, window_bounds = array<i64: 3, 1, 64>}, {pipeline_mode = #tpu.pipeline_mode<synchronous>, transform_indices = @transform_7, window_bounds = array<i64: 64, 64>}, {transform_indices = @transform_8, window_bounds = array<i64: 64, 2560>}]} {
    %get3A = arith.constant 0 : index
    %get3A_0 = arith.constant 0 : index
    %get3A_1 = vector.load %arg2[%get3A, %get3A_0] : memref<2560x128xf32, #tpu.memory_space<vmem>>, vector<1280x128xf32>
    %get3A_2 = arith.constant 0 : index
    %get3A_3 = arith.constant 0 : index
    %get3A_4 = vector.load %arg3[%get3A_2, %get3A_3] : memref<2560x128xf32, #tpu.memory_space<vmem>>, vector<1280x128xf32>
    %slice3A = vector.extract_strided_slice %get3A_1 {offsets = [0, 0], sizes = [1280, 64], strides = [1, 1]} : vector<1280x128xf32> to vector<1280x64xf32>
    %slice3A_5 = vector.extract_strided_slice %get3A_4 {offsets = [0, 64], sizes = [1280, 64], strides = [1, 1]} : vector<1280x128xf32> to vector<1280x64xf32>
    %add3A = arith.addf %slice3A, %slice3A_5 : vector<1280x64xf32>
    %slice3A_6 = vector.extract_strided_slice %get3A_4 {offsets = [0, 0], sizes = [1280, 64], strides = [1, 1]} : vector<1280x128xf32> to vector<1280x64xf32>
    %slice3A_7 = vector.extract_strided_slice %get3A_1 {offsets = [0, 64], sizes = [1280, 64], strides = [1, 1]} : vector<1280x128xf32> to vector<1280x64xf32>
    %add3A_8 = arith.addf %slice3A_6, %slice3A_7 : vector<1280x64xf32>
    %eq3A = arith.constant 0 : i32
    %eq3A_9 = arith.cmpi eq, %arg1, %eq3A : i32
    %select_n3A = arith.select %eq3A_9, %add3A, %add3A_8 : vector<1280x64xf32>
    %get3A_10 = arith.constant 0 : index
    %get3A_11 = arith.constant 0 : index
    %get3A_12 = vector.load %arg6[%get3A_10, %get3A_11] : memref<1x64xf32, #tpu.memory_space<vmem>>, vector<1x64xf32>
    %add3A_13 = vector.broadcast %get3A_12 : vector<1x64xf32> to vector<1280x64xf32>
    %add3A_14 = arith.addf %select_n3A, %add3A_13 : vector<1280x64xf32>
    %reduce_sum3A = arith.constant dense<0.000000e+00> : vector<1280xf32>
    %reduce_sum3A_15 = vector.multi_reduction <add>, %add3A_14, %reduce_sum3A [1] : vector<1280x64xf32> to vector<1280xf32>
    %broadcast_in_dim3A = vector.shape_cast %reduce_sum3A_15 : vector<1280xf32> to vector<1280x1xf32>
    %div3A = arith.constant 6.400000e+01 : f32
    %div3A_16 = vector.broadcast %div3A : f32 to vector<1280x1xf32>
    %div3A_17 = arith.divf %broadcast_in_dim3A, %div3A_16 : vector<1280x1xf32>
    %sub3A = vector.broadcast %div3A_17 : vector<1280x1xf32> to vector<1280x64xf32>
    %sub3A_18 = arith.subf %add3A_14, %sub3A : vector<1280x64xf32>
    %mul3A = arith.mulf %sub3A_18, %sub3A_18 : vector<1280x64xf32>
    %reduce_sum3A_19 = arith.constant dense<0.000000e+00> : vector<1280xf32>
    %reduce_sum3A_20 = vector.multi_reduction <add>, %mul3A, %reduce_sum3A_19 [1] : vector<1280x64xf32> to vector<1280xf32>
    %broadcast_in_dim3A_21 = vector.shape_cast %reduce_sum3A_20 : vector<1280xf32> to vector<1280x1xf32>
    %div3A_22 = arith.constant 6.400000e+01 : f32
    %div3A_23 = vector.broadcast %div3A_22 : f32 to vector<1280x1xf32>
    %div3A_24 = arith.divf %broadcast_in_dim3A_21, %div3A_23 : vector<1280x1xf32>
    %add3A_25 = arith.constant 9.99999974E-6 : f32
    %add3A_26 = vector.broadcast %add3A_25 : f32 to vector<1280x1xf32>
    %add3A_27 = arith.addf %div3A_24, %add3A_26 : vector<1280x1xf32>
    %rsqrt3A = math.rsqrt %add3A_27 : vector<1280x1xf32>
    %mul3A_28 = vector.broadcast %rsqrt3A : vector<1280x1xf32> to vector<1280x64xf32>
    %mul3A_29 = arith.mulf %sub3A_18, %mul3A_28 : vector<1280x64xf32>
    %max3A = arith.constant 0.000000e+00 : f32
    %max3A_30 = vector.broadcast %max3A : f32 to vector<1280x64xf32>
    %max3A_31 = arith.maximumf %mul3A_29, %max3A_30 : vector<1280x64xf32>
    %get3A_32 = arith.constant 0 : index
    %get3A_33 = arith.constant 0 : index
    %get3A_34 = arith.constant 0 : index
    %get3A_35 = vector.load %arg7[%get3A_32, %get3A_33, %get3A_34] : memref<3x64x64xf32, #tpu.memory_space<vmem>>, vector<1x64x64xf32>
    %get3A_36 = vector.shape_cast %get3A_35 : vector<1x64x64xf32> to vector<64x64xf32>
    %dot_general3A = arith.constant dense<0.000000e+00> : vector<1280x64xf32>
    %dot_general3A_37 = tpu.matmul %max3A_31, %get3A_36, %dot_general3A {dimension_numbers = #tpu.dot_dimension_numbers<[1], [0], [0], [1], [0, 0, 1, 1], [], []>, transpose_lhs_hint = false} : vector<1280x64xf32>, vector<64x64xf32>, vector<1280x64xf32> -> vector<1280x64xf32>
    %get3A_38 = arith.constant 0 : index
    %get3A_39 = arith.constant 0 : index
    %get3A_40 = arith.constant 0 : index
    %get3A_41 = vector.load %arg8[%get3A_38, %get3A_39, %get3A_40] : memref<3x1x64xf32, #tpu.memory_space<vmem>>, vector<1x1x64xf32>
    %get3A_42 = vector.shape_cast %get3A_41 : vector<1x1x64xf32> to vector<1x64xf32>
    %add3A_43 = vector.broadcast %get3A_42 : vector<1x64xf32> to vector<1280x64xf32>
    %add3A_44 = arith.addf %dot_general3A_37, %add3A_43 : vector<1280x64xf32>
    %reduce_sum3A_45 = arith.constant dense<0.000000e+00> : vector<1280xf32>
    %reduce_sum3A_46 = vector.multi_reduction <add>, %add3A_44, %reduce_sum3A_45 [1] : vector<1280x64xf32> to vector<1280xf32>
    %broadcast_in_dim3A_47 = vector.shape_cast %reduce_sum3A_46 : vector<1280xf32> to vector<1280x1xf32>
    %div3A_48 = arith.constant 6.400000e+01 : f32
    %div3A_49 = vector.broadcast %div3A_48 : f32 to vector<1280x1xf32>
    %div3A_50 = arith.divf %broadcast_in_dim3A_47, %div3A_49 : vector<1280x1xf32>
    %sub3A_51 = vector.broadcast %div3A_50 : vector<1280x1xf32> to vector<1280x64xf32>
    %sub3A_52 = arith.subf %add3A_44, %sub3A_51 : vector<1280x64xf32>
    %mul3A_53 = arith.mulf %sub3A_52, %sub3A_52 : vector<1280x64xf32>
    %reduce_sum3A_54 = arith.constant dense<0.000000e+00> : vector<1280xf32>
    %reduce_sum3A_55 = vector.multi_reduction <add>, %mul3A_53, %reduce_sum3A_54 [1] : vector<1280x64xf32> to vector<1280xf32>
    %broadcast_in_dim3A_56 = vector.shape_cast %reduce_sum3A_55 : vector<1280xf32> to vector<1280x1xf32>
    %div3A_57 = arith.constant 6.400000e+01 : f32
    %div3A_58 = vector.broadcast %div3A_57 : f32 to vector<1280x1xf32>
    %div3A_59 = arith.divf %broadcast_in_dim3A_56, %div3A_58 : vector<1280x1xf32>
    %add3A_60 = arith.constant 9.99999974E-6 : f32
    %add3A_61 = vector.broadcast %add3A_60 : f32 to vector<1280x1xf32>
    %add3A_62 = arith.addf %div3A_59, %add3A_61 : vector<1280x1xf32>
    %rsqrt3A_63 = math.rsqrt %add3A_62 : vector<1280x1xf32>
    %mul3A_64 = vector.broadcast %rsqrt3A_63 : vector<1280x1xf32> to vector<1280x64xf32>
    %mul3A_65 = arith.mulf %sub3A_52, %mul3A_64 : vector<1280x64xf32>
    %max3A_66 = arith.constant 0.000000e+00 : f32
    %max3A_67 = vector.broadcast %max3A_66 : f32 to vector<1280x64xf32>
    %max3A_68 = arith.maximumf %mul3A_65, %max3A_67 : vector<1280x64xf32>
    %get3A_69 = arith.constant 1 : index
    %get3A_70 = arith.constant 0 : index
    %get3A_71 = arith.constant 0 : index
    %get3A_72 = vector.load %arg7[%get3A_69, %get3A_70, %get3A_71] : memref<3x64x64xf32, #tpu.memory_space<vmem>>, vector<1x64x64xf32>
    %get3A_73 = vector.shape_cast %get3A_72 : vector<1x64x64xf32> to vector<64x64xf32>
    %dot_general3A_74 = arith.constant dense<0.000000e+00> : vector<1280x64xf32>
    %dot_general3A_75 = tpu.matmul %max3A_68, %get3A_73, %dot_general3A_74 {dimension_numbers = #tpu.dot_dimension_numbers<[1], [0], [0], [1], [0, 0, 1, 1], [], []>, transpose_lhs_hint = false} : vector<1280x64xf32>, vector<64x64xf32>, vector<1280x64xf32> -> vector<1280x64xf32>
    %get3A_76 = arith.constant 1 : index
    %get3A_77 = arith.constant 0 : index
    %get3A_78 = arith.constant 0 : index
    %get3A_79 = vector.load %arg8[%get3A_76, %get3A_77, %get3A_78] : memref<3x1x64xf32, #tpu.memory_space<vmem>>, vector<1x1x64xf32>
    %get3A_80 = vector.shape_cast %get3A_79 : vector<1x1x64xf32> to vector<1x64xf32>
    %add3A_81 = vector.broadcast %get3A_80 : vector<1x64xf32> to vector<1280x64xf32>
    %add3A_82 = arith.addf %dot_general3A_75, %add3A_81 : vector<1280x64xf32>
    %reduce_sum3A_83 = arith.constant dense<0.000000e+00> : vector<1280xf32>
    %reduce_sum3A_84 = vector.multi_reduction <add>, %add3A_82, %reduce_sum3A_83 [1] : vector<1280x64xf32> to vector<1280xf32>
    %broadcast_in_dim3A_85 = vector.shape_cast %reduce_sum3A_84 : vector<1280xf32> to vector<1280x1xf32>
    %div3A_86 = arith.constant 6.400000e+01 : f32
    %div3A_87 = vector.broadcast %div3A_86 : f32 to vector<1280x1xf32>
    %div3A_88 = arith.divf %broadcast_in_dim3A_85, %div3A_87 : vector<1280x1xf32>
    %sub3A_89 = vector.broadcast %div3A_88 : vector<1280x1xf32> to vector<1280x64xf32>
    %sub3A_90 = arith.subf %add3A_82, %sub3A_89 : vector<1280x64xf32>
    %mul3A_91 = arith.mulf %sub3A_90, %sub3A_90 : vector<1280x64xf32>
    %reduce_sum3A_92 = arith.constant dense<0.000000e+00> : vector<1280xf32>
    %reduce_sum3A_93 = vector.multi_reduction <add>, %mul3A_91, %reduce_sum3A_92 [1] : vector<1280x64xf32> to vector<1280xf32>
    %broadcast_in_dim3A_94 = vector.shape_cast %reduce_sum3A_93 : vector<1280xf32> to vector<1280x1xf32>
    %div3A_95 = arith.constant 6.400000e+01 : f32
    %div3A_96 = vector.broadcast %div3A_95 : f32 to vector<1280x1xf32>
    %div3A_97 = arith.divf %broadcast_in_dim3A_94, %div3A_96 : vector<1280x1xf32>
    %add3A_98 = arith.constant 9.99999974E-6 : f32
    %add3A_99 = vector.broadcast %add3A_98 : f32 to vector<1280x1xf32>
    %add3A_100 = arith.addf %div3A_97, %add3A_99 : vector<1280x1xf32>
    %rsqrt3A_101 = math.rsqrt %add3A_100 : vector<1280x1xf32>
    %mul3A_102 = vector.broadcast %rsqrt3A_101 : vector<1280x1xf32> to vector<1280x64xf32>
    %mul3A_103 = arith.mulf %sub3A_90, %mul3A_102 : vector<1280x64xf32>
    %max3A_104 = arith.constant 0.000000e+00 : f32
    %max3A_105 = vector.broadcast %max3A_104 : f32 to vector<1280x64xf32>
    %max3A_106 = arith.maximumf %mul3A_103, %max3A_105 : vector<1280x64xf32>
    %get3A_107 = arith.constant 2 : index
    %get3A_108 = arith.constant 0 : index
    %get3A_109 = arith.constant 0 : index
    %get3A_110 = vector.load %arg7[%get3A_107, %get3A_108, %get3A_109] : memref<3x64x64xf32, #tpu.memory_space<vmem>>, vector<1x64x64xf32>
    %get3A_111 = vector.shape_cast %get3A_110 : vector<1x64x64xf32> to vector<64x64xf32>
    %dot_general3A_112 = arith.constant dense<0.000000e+00> : vector<1280x64xf32>
    %dot_general3A_113 = tpu.matmul %max3A_106, %get3A_111, %dot_general3A_112 {dimension_numbers = #tpu.dot_dimension_numbers<[1], [0], [0], [1], [0, 0, 1, 1], [], []>, transpose_lhs_hint = false} : vector<1280x64xf32>, vector<64x64xf32>, vector<1280x64xf32> -> vector<1280x64xf32>
    %get3A_114 = arith.constant 2 : index
    %get3A_115 = arith.constant 0 : index
    %get3A_116 = arith.constant 0 : index
    %get3A_117 = vector.load %arg8[%get3A_114, %get3A_115, %get3A_116] : memref<3x1x64xf32, #tpu.memory_space<vmem>>, vector<1x1x64xf32>
    %get3A_118 = vector.shape_cast %get3A_117 : vector<1x1x64xf32> to vector<1x64xf32>
    %add3A_119 = vector.broadcast %get3A_118 : vector<1x64xf32> to vector<1280x64xf32>
    %add3A_120 = arith.addf %dot_general3A_113, %add3A_119 : vector<1280x64xf32>
    %reduce_sum3A_121 = arith.constant dense<0.000000e+00> : vector<1280xf32>
    %reduce_sum3A_122 = vector.multi_reduction <add>, %add3A_120, %reduce_sum3A_121 [1] : vector<1280x64xf32> to vector<1280xf32>
    %broadcast_in_dim3A_123 = vector.shape_cast %reduce_sum3A_122 : vector<1280xf32> to vector<1280x1xf32>
    %div3A_124 = arith.constant 6.400000e+01 : f32
    %div3A_125 = vector.broadcast %div3A_124 : f32 to vector<1280x1xf32>
    %div3A_126 = arith.divf %broadcast_in_dim3A_123, %div3A_125 : vector<1280x1xf32>
    %sub3A_127 = vector.broadcast %div3A_126 : vector<1280x1xf32> to vector<1280x64xf32>
    %sub3A_128 = arith.subf %add3A_120, %sub3A_127 : vector<1280x64xf32>
    %mul3A_129 = arith.mulf %sub3A_128, %sub3A_128 : vector<1280x64xf32>
    %reduce_sum3A_130 = arith.constant dense<0.000000e+00> : vector<1280xf32>
    %reduce_sum3A_131 = vector.multi_reduction <add>, %mul3A_129, %reduce_sum3A_130 [1] : vector<1280x64xf32> to vector<1280xf32>
    %broadcast_in_dim3A_132 = vector.shape_cast %reduce_sum3A_131 : vector<1280xf32> to vector<1280x1xf32>
    %div3A_133 = arith.constant 6.400000e+01 : f32
    %div3A_134 = vector.broadcast %div3A_133 : f32 to vector<1280x1xf32>
    %div3A_135 = arith.divf %broadcast_in_dim3A_132, %div3A_134 : vector<1280x1xf32>
    %add3A_136 = arith.constant 9.99999974E-6 : f32
    %add3A_137 = vector.broadcast %add3A_136 : f32 to vector<1280x1xf32>
    %add3A_138 = arith.addf %div3A_135, %add3A_137 : vector<1280x1xf32>
    %rsqrt3A_139 = math.rsqrt %add3A_138 : vector<1280x1xf32>
    %mul3A_140 = vector.broadcast %rsqrt3A_139 : vector<1280x1xf32> to vector<1280x64xf32>
    %mul3A_141 = arith.mulf %sub3A_128, %mul3A_140 : vector<1280x64xf32>
    %max3A_142 = arith.constant 0.000000e+00 : f32
    %max3A_143 = vector.broadcast %max3A_142 : f32 to vector<1280x64xf32>
    %max3A_144 = arith.maximumf %mul3A_141, %max3A_143 : vector<1280x64xf32>
    %transpose3A = tpu.transpose %max3A_144, [1, 0] : vector<1280x64xf32> -> vector<64x1280xf32>
    %swap3A = arith.constant 0 : index
    %swap3A_145 = arith.constant 0 : index
    %swap3A_146 = vector.load %arg10[%swap3A, %swap3A_145] : memref<64x2560xf32, #tpu.memory_space<vmem>>, vector<64x1280xf32>
    tpu.vector_store %arg10[%swap3A, %swap3A_145], %transpose3A {strides = array<i32>} : memref<64x2560xf32, #tpu.memory_space<vmem>>, vector<64x1280xf32>,
    %get3A_147 = arith.constant 1280 : index
    %get3A_148 = arith.constant 0 : index
    %get3A_149 = vector.load %arg2[%get3A_147, %get3A_148] : memref<2560x128xf32, #tpu.memory_space<vmem>>, vector<1280x128xf32>
    %get3A_150 = arith.constant 1280 : index
    %get3A_151 = arith.constant 0 : index
    %get3A_152 = vector.load %arg3[%get3A_150, %get3A_151] : memref<2560x128xf32, #tpu.memory_space<vmem>>, vector<1280x128xf32>
    %slice3A_153 = vector.extract_strided_slice %get3A_149 {offsets = [0, 0], sizes = [1280, 64], strides = [1, 1]} : vector<1280x128xf32> to vector<1280x64xf32>
    %slice3A_154 = vector.extract_strided_slice %get3A_152 {offsets = [0, 64], sizes = [1280, 64], strides = [1, 1]} : vector<1280x128xf32> to vector<1280x64xf32>
    %add3A_155 = arith.addf %slice3A_153, %slice3A_154 : vector<1280x64xf32>
    %slice3A_156 = vector.extract_strided_slice %get3A_152 {offsets = [0, 0], sizes = [1280, 64], strides = [1, 1]} : vector<1280x128xf32> to vector<1280x64xf32>
    %slice3A_157 = vector.extract_strided_slice %get3A_149 {offsets = [0, 64], sizes = [1280, 64], strides = [1, 1]} : vector<1280x128xf32> to vector<1280x64xf32>
    %add3A_158 = arith.addf %slice3A_156, %slice3A_157 : vector<1280x64xf32>
    %eq3A_159 = arith.constant 0 : i32
    %eq3A_160 = arith.cmpi eq, %arg1, %eq3A_159 : i32
    %select_n3A_161 = arith.select %eq3A_160, %add3A_155, %add3A_158 : vector<1280x64xf32>
    %get3A_162 = arith.constant 0 : index
    %get3A_163 = arith.constant 0 : index
    %get3A_164 = vector.load %arg6[%get3A_162, %get3A_163] : memref<1x64xf32, #tpu.memory_space<vmem>>, vector<1x64xf32>
    %add3A_165 = vector.broadcast %get3A_164 : vector<1x64xf32> to vector<1280x64xf32>
    %add3A_166 = arith.addf %select_n3A_161, %add3A_165 : vector<1280x64xf32>
    %reduce_sum3A_167 = arith.constant dense<0.000000e+00> : vector<1280xf32>
    %reduce_sum3A_168 = vector.multi_reduction <add>, %add3A_166, %reduce_sum3A_167 [1] : vector<1280x64xf32> to vector<1280xf32>
    %broadcast_in_dim3A_169 = vector.shape_cast %reduce_sum3A_168 : vector<1280xf32> to vector<1280x1xf32>
    %div3A_170 = arith.constant 6.400000e+01 : f32
    %div3A_171 = vector.broadcast %div3A_170 : f32 to vector<1280x1xf32>
    %div3A_172 = arith.divf %broadcast_in_dim3A_169, %div3A_171 : vector<1280x1xf32>
    %sub3A_173 = vector.broadcast %div3A_172 : vector<1280x1xf32> to vector<1280x64xf32>
    %sub3A_174 = arith.subf %add3A_166, %sub3A_173 : vector<1280x64xf32>
    %mul3A_175 = arith.mulf %sub3A_174, %sub3A_174 : vector<1280x64xf32>
    %reduce_sum3A_176 = arith.constant dense<0.000000e+00> : vector<1280xf32>
    %reduce_sum3A_177 = vector.multi_reduction <add>, %mul3A_175, %reduce_sum3A_176 [1] : vector<1280x64xf32> to vector<1280xf32>
    %broadcast_in_dim3A_178 = vector.shape_cast %reduce_sum3A_177 : vector<1280xf32> to vector<1280x1xf32>
    %div3A_179 = arith.constant 6.400000e+01 : f32
    %div3A_180 = vector.broadcast %div3A_179 : f32 to vector<1280x1xf32>
    %div3A_181 = arith.divf %broadcast_in_dim3A_178, %div3A_180 : vector<1280x1xf32>
    %add3A_182 = arith.constant 9.99999974E-6 : f32
    %add3A_183 = vector.broadcast %add3A_182 : f32 to vector<1280x1xf32>
    %add3A_184 = arith.addf %div3A_181, %add3A_183 : vector<1280x1xf32>
    %rsqrt3A_185 = math.rsqrt %add3A_184 : vector<1280x1xf32>
    %mul3A_186 = vector.broadcast %rsqrt3A_185 : vector<1280x1xf32> to vector<1280x64xf32>
    %mul3A_187 = arith.mulf %sub3A_174, %mul3A_186 : vector<1280x64xf32>
    %max3A_188 = arith.constant 0.000000e+00 : f32
    %max3A_189 = vector.broadcast %max3A_188 : f32 to vector<1280x64xf32>
    %max3A_190 = arith.maximumf %mul3A_187, %max3A_189 : vector<1280x64xf32>
    %get3A_191 = arith.constant 0 : index
    %get3A_192 = arith.constant 0 : index
    %get3A_193 = arith.constant 0 : index
    %get3A_194 = vector.load %arg7[%get3A_191, %get3A_192, %get3A_193] : memref<3x64x64xf32, #tpu.memory_space<vmem>>, vector<1x64x64xf32>
    %get3A_195 = vector.shape_cast %get3A_194 : vector<1x64x64xf32> to vector<64x64xf32>
    %dot_general3A_196 = arith.constant dense<0.000000e+00> : vector<1280x64xf32>
    %dot_general3A_197 = tpu.matmul %max3A_190, %get3A_195, %dot_general3A_196 {dimension_numbers = #tpu.dot_dimension_numbers<[1], [0], [0], [1], [0, 0, 1, 1], [], []>, transpose_lhs_hint = false} : vector<1280x64xf32>, vector<64x64xf32>, vector<1280x64xf32> -> vector<1280x64xf32>
    %get3A_198 = arith.constant 0 : index
    %get3A_199 = arith.constant 0 : index
    %get3A_200 = arith.constant 0 : index
    %get3A_201 = vector.load %arg8[%get3A_198, %get3A_199, %get3A_200] : memref<3x1x64xf32, #tpu.memory_space<vmem>>, vector<1x1x64xf32>
    %get3A_202 = vector.shape_cast %get3A_201 : vector<1x1x64xf32> to vector<1x64xf32>
    %add3A_203 = vector.broadcast %get3A_202 : vector<1x64xf32> to vector<1280x64xf32>
    %add3A_204 = arith.addf %dot_general3A_197, %add3A_203 : vector<1280x64xf32>
    %reduce_sum3A_205 = arith.constant dense<0.000000e+00> : vector<1280xf32>
    %reduce_sum3A_206 = vector.multi_reduction <add>, %add3A_204, %reduce_sum3A_205 [1] : vector<1280x64xf32> to vector<1280xf32>
    %broadcast_in_dim3A_207 = vector.shape_cast %reduce_sum3A_206 : vector<1280xf32> to vector<1280x1xf32>
    %div3A_208 = arith.constant 6.400000e+01 : f32
    %div3A_209 = vector.broadcast %div3A_208 : f32 to vector<1280x1xf32>
    %div3A_210 = arith.divf %broadcast_in_dim3A_207, %div3A_209 : vector<1280x1xf32>
    %sub3A_211 = vector.broadcast %div3A_210 : vector<1280x1xf32> to vector<1280x64xf32>
    %sub3A_212 = arith.subf %add3A_204, %sub3A_211 : vector<1280x64xf32>
    %mul3A_213 = arith.mulf %sub3A_212, %sub3A_212 : vector<1280x64xf32>
    %reduce_sum3A_214 = arith.constant dense<0.000000e+00> : vector<1280xf32>
    %reduce_sum3A_215 = vector.multi_reduction <add>, %mul3A_213, %reduce_sum3A_214 [1] : vector<1280x64xf32> to vector<1280xf32>
    %broadcast_in_dim3A_216 = vector.shape_cast %reduce_sum3A_215 : vector<1280xf32> to vector<1280x1xf32>
    %div3A_217 = arith.constant 6.400000e+01 : f32
    %div3A_218 = vector.broadcast %div3A_217 : f32 to vector<1280x1xf32>
    %div3A_219 = arith.divf %broadcast_in_dim3A_216, %div3A_218 : vector<1280x1xf32>
    %add3A_220 = arith.constant 9.99999974E-6 : f32
    %add3A_221 = vector.broadcast %add3A_220 : f32 to vector<1280x1xf32>
    %add3A_222 = arith.addf %div3A_219, %add3A_221 : vector<1280x1xf32>
    %rsqrt3A_223 = math.rsqrt %add3A_222 : vector<1280x1xf32>
    %mul3A_224 = vector.broadcast %rsqrt3A_223 : vector<1280x1xf32> to vector<1280x64xf32>
    %mul3A_225 = arith.mulf %sub3A_212, %mul3A_224 : vector<1280x64xf32>
    %max3A_226 = arith.constant 0.000000e+00 : f32
    %max3A_227 = vector.broadcast %max3A_226 : f32 to vector<1280x64xf32>
    %max3A_228 = arith.maximumf %mul3A_225, %max3A_227 : vector<1280x64xf32>
    %get3A_229 = arith.constant 1 : index
    %get3A_230 = arith.constant 0 : index
    %get3A_231 = arith.constant 0 : index
    %get3A_232 = vector.load %arg7[%get3A_229, %get3A_230, %get3A_231] : memref<3x64x64xf32, #tpu.memory_space<vmem>>, vector<1x64x64xf32>
    %get3A_233 = vector.shape_cast %get3A_232 : vector<1x64x64xf32> to vector<64x64xf32>
    %dot_general3A_234 = arith.constant dense<0.000000e+00> : vector<1280x64xf32>
    %dot_general3A_235 = tpu.matmul %max3A_228, %get3A_233, %dot_general3A_234 {dimension_numbers = #tpu.dot_dimension_numbers<[1], [0], [0], [1], [0, 0, 1, 1], [], []>, transpose_lhs_hint = false} : vector<1280x64xf32>, vector<64x64xf32>, vector<1280x64xf32> -> vector<1280x64xf32>
    %get3A_236 = arith.constant 1 : index
    %get3A_237 = arith.constant 0 : index
    %get3A_238 = arith.constant 0 : index
    %get3A_239 = vector.load %arg8[%get3A_236, %get3A_237, %get3A_238] : memref<3x1x64xf32, #tpu.memory_space<vmem>>, vector<1x1x64xf32>
    %get3A_240 = vector.shape_cast %get3A_239 : vector<1x1x64xf32> to vector<1x64xf32>
    %add3A_241 = vector.broadcast %get3A_240 : vector<1x64xf32> to vector<1280x64xf32>
    %add3A_242 = arith.addf %dot_general3A_235, %add3A_241 : vector<1280x64xf32>
    %reduce_sum3A_243 = arith.constant dense<0.000000e+00> : vector<1280xf32>
    %reduce_sum3A_244 = vector.multi_reduction <add>, %add3A_242, %reduce_sum3A_243 [1] : vector<1280x64xf32> to vector<1280xf32>
    %broadcast_in_dim3A_245 = vector.shape_cast %reduce_sum3A_244 : vector<1280xf32> to vector<1280x1xf32>
    %div3A_246 = arith.constant 6.400000e+01 : f32
    %div3A_247 = vector.broadcast %div3A_246 : f32 to vector<1280x1xf32>
    %div3A_248 = arith.divf %broadcast_in_dim3A_245, %div3A_247 : vector<1280x1xf32>
    %sub3A_249 = vector.broadcast %div3A_248 : vector<1280x1xf32> to vector<1280x64xf32>
    %sub3A_250 = arith.subf %add3A_242, %sub3A_249 : vector<1280x64xf32>
    %mul3A_251 = arith.mulf %sub3A_250, %sub3A_250 : vector<1280x64xf32>
    %reduce_sum3A_252 = arith.constant dense<0.000000e+00> : vector<1280xf32>
    %reduce_sum3A_253 = vector.multi_reduction <add>, %mul3A_251, %reduce_sum3A_252 [1] : vector<1280x64xf32> to vector<1280xf32>
    %broadcast_in_dim3A_254 = vector.shape_cast %reduce_sum3A_253 : vector<1280xf32> to vector<1280x1xf32>
    %div3A_255 = arith.constant 6.400000e+01 : f32
    %div3A_256 = vector.broadcast %div3A_255 : f32 to vector<1280x1xf32>
    %div3A_257 = arith.divf %broadcast_in_dim3A_254, %div3A_256 : vector<1280x1xf32>
    %add3A_258 = arith.constant 9.99999974E-6 : f32
    %add3A_259 = vector.broadcast %add3A_258 : f32 to vector<1280x1xf32>
    %add3A_260 = arith.addf %div3A_257, %add3A_259 : vector<1280x1xf32>
    %rsqrt3A_261 = math.rsqrt %add3A_260 : vector<1280x1xf32>
    %mul3A_262 = vector.broadcast %rsqrt3A_261 : vector<1280x1xf32> to vector<1280x64xf32>
    %mul3A_263 = arith.mulf %sub3A_250, %mul3A_262 : vector<1280x64xf32>
    %max3A_264 = arith.constant 0.000000e+00 : f32
    %max3A_265 = vector.broadcast %max3A_264 : f32 to vector<1280x64xf32>
    %max3A_266 = arith.maximumf %mul3A_263, %max3A_265 : vector<1280x64xf32>
    %get3A_267 = arith.constant 2 : index
    %get3A_268 = arith.constant 0 : index
    %get3A_269 = arith.constant 0 : index
    %get3A_270 = vector.load %arg7[%get3A_267, %get3A_268, %get3A_269] : memref<3x64x64xf32, #tpu.memory_space<vmem>>, vector<1x64x64xf32>
    %get3A_271 = vector.shape_cast %get3A_270 : vector<1x64x64xf32> to vector<64x64xf32>
    %dot_general3A_272 = arith.constant dense<0.000000e+00> : vector<1280x64xf32>
    %dot_general3A_273 = tpu.matmul %max3A_266, %get3A_271, %dot_general3A_272 {dimension_numbers = #tpu.dot_dimension_numbers<[1], [0], [0], [1], [0, 0, 1, 1], [], []>, transpose_lhs_hint = false} : vector<1280x64xf32>, vector<64x64xf32>, vector<1280x64xf32> -> vector<1280x64xf32>
    %get3A_274 = arith.constant 2 : index
    %get3A_275 = arith.constant 0 : index
    %get3A_276 = arith.constant 0 : index
    %get3A_277 = vector.load %arg8[%get3A_274, %get3A_275, %get3A_276] : memref<3x1x64xf32, #tpu.memory_space<vmem>>, vector<1x1x64xf32>
    %get3A_278 = vector.shape_cast %get3A_277 : vector<1x1x64xf32> to vector<1x64xf32>
    %add3A_279 = vector.broadcast %get3A_278 : vector<1x64xf32> to vector<1280x64xf32>
    %add3A_280 = arith.addf %dot_general3A_273, %add3A_279 : vector<1280x64xf32>
    %reduce_sum3A_281 = arith.constant dense<0.000000e+00> : vector<1280xf32>
    %reduce_sum3A_282 = vector.multi_reduction <add>, %add3A_280, %reduce_sum3A_281 [1] : vector<1280x64xf32> to vector<1280xf32>
    %broadcast_in_dim3A_283 = vector.shape_cast %reduce_sum3A_282 : vector<1280xf32> to vector<1280x1xf32>
    %div3A_284 = arith.constant 6.400000e+01 : f32
    %div3A_285 = vector.broadcast %div3A_284 : f32 to vector<1280x1xf32>
    %div3A_286 = arith.divf %broadcast_in_dim3A_283, %div3A_285 : vector<1280x1xf32>
    %sub3A_287 = vector.broadcast %div3A_286 : vector<1280x1xf32> to vector<1280x64xf32>
    %sub3A_288 = arith.subf %add3A_280, %sub3A_287 : vector<1280x64xf32>
    %mul3A_289 = arith.mulf %sub3A_288, %sub3A_288 : vector<1280x64xf32>
    %reduce_sum3A_290 = arith.constant dense<0.000000e+00> : vector<1280xf32>
    %reduce_sum3A_291 = vector.multi_reduction <add>, %mul3A_289, %reduce_sum3A_290 [1] : vector<1280x64xf32> to vector<1280xf32>
    %broadcast_in_dim3A_292 = vector.shape_cast %reduce_sum3A_291 : vector<1280xf32> to vector<1280x1xf32>
    %div3A_293 = arith.constant 6.400000e+01 : f32
    %div3A_294 = vector.broadcast %div3A_293 : f32 to vector<1280x1xf32>
    %div3A_295 = arith.divf %broadcast_in_dim3A_292, %div3A_294 : vector<1280x1xf32>
    %add3A_296 = arith.constant 9.99999974E-6 : f32
    %add3A_297 = vector.broadcast %add3A_296 : f32 to vector<1280x1xf32>
    %add3A_298 = arith.addf %div3A_295, %add3A_297 : vector<1280x1xf32>
    %rsqrt3A_299 = math.rsqrt %add3A_298 : vector<1280x1xf32>
    %mul3A_300 = vector.broadcast %rsqrt3A_299 : vector<1280x1xf32> to vector<1280x64xf32>
    %mul3A_301 = arith.mulf %sub3A_288, %mul3A_300 : vector<1280x64xf32>
    %max3A_302 = arith.constant 0.000000e+00 : f32
    %max3A_303 = vector.broadcast %max3A_302 : f32 to vector<1280x64xf32>
    %max3A_304 = arith.maximumf %mul3A_301, %max3A_303 : vector<1280x64xf32>
    %transpose3A_305 = tpu.transpose %max3A_304, [1, 0] : vector<1280x64xf32> -> vector<64x1280xf32>
    %swap3A_306 = arith.constant 0 : index
    %swap3A_307 = arith.constant 1280 : index
    %swap3A_308 = vector.load %arg10[%swap3A_306, %swap3A_307] : memref<64x2560xf32, #tpu.memory_space<vmem>>, vector<64x1280xf32>
    tpu.vector_store %arg10[%swap3A_306, %swap3A_307], %transpose3A_305 {strides = array<i32>} : memref<64x2560xf32, #tpu.memory_space<vmem>>, vector<64x1280xf32>,
    return
  }
  func.func @transform_0(%arg0: i32, %arg1: i32) -> (i32, i32) {
    %c0_i32 = arith.constant 0 : i32
    %c0_i32_0 = arith.constant 0 : i32
    return %arg0, %c0_i32 : i32, i32
  }
  func.func @transform_1(%arg0: i32, %arg1: i32) -> (i32, i32) {
    %add3A = arith.constant 125 : i32
    %add3A_0 = arith.addi %arg0, %add3A : i32
    %c0_i32 = arith.constant 0 : i32
    %c0_i32_1 = arith.constant 0 : i32
    return %add3A_0, %c0_i32 : i32, i32
  }
  func.func @transform_2(%arg0: i32, %arg1: i32) -> (i32, i32) {
    %c0_i32 = arith.constant 0 : i32
    %c0_i32_0 = arith.constant 0 : i32
    %c0_i32_1 = arith.constant 0 : i32
    return %c0_i32, %c0_i32_0 : i32, i32
  }
  func.func @transform_3(%arg0: i32, %arg1: i32) -> (i32, i32) {
    %c0_i32 = arith.constant 0 : i32
    %c0_i32_0 = arith.constant 0 : i32
    %c0_i32_1 = arith.constant 0 : i32
    return %c0_i32, %c0_i32_0 : i32, i32
  }
  func.func @transform_4(%arg0: i32, %arg1: i32) -> (i32, i32) {
    %c0_i32 = arith.constant 0 : i32
    %c0_i32_0 = arith.constant 0 : i32
    %c0_i32_1 = arith.constant 0 : i32
    return %c0_i32, %c0_i32_0 : i32, i32
  }
  func.func @transform_5(%arg0: i32, %arg1: i32) -> (i32, i32, i32) {
    %c0_i32 = arith.constant 0 : i32
    %c0_i32_0 = arith.constant 0 : i32
    %c0_i32_1 = arith.constant 0 : i32
    %c0_i32_2 = arith.constant 0 : i32
    return %c0_i32, %c0_i32_0, %c0_i32_1 : i32, i32, i32
  }
  func.func @transform_6(%arg0: i32, %arg1: i32) -> (i32, i32, i32) {
    %c0_i32 = arith.constant 0 : i32
    %c0_i32_0 = arith.constant 0 : i32
    %c0_i32_1 = arith.constant 0 : i32
    %c0_i32_2 = arith.constant 0 : i32
    return %c0_i32, %c0_i32_0, %c0_i32_1 : i32, i32, i32
  }
  func.func @transform_7(%arg0: i32, %arg1: i32) -> (i32, i32) {
    %c0_i32 = arith.constant 0 : i32
    %c0_i32_0 = arith.constant 0 : i32
    %c0_i32_1 = arith.constant 0 : i32
    return %c0_i32, %c0_i32_0 : i32, i32
  }
  func.func @transform_8(%arg0: i32, %arg1: i32) -> (i32, i32) {
    %mul3A = arith.constant 125 : i32
    %mul3A_0 = arith.muli %arg1, %mul3A : i32
    %add3A = arith.addi %arg0, %mul3A_0 : i32
    %c0_i32 = arith.constant 0 : i32
    %c0_i32_1 = arith.constant 0 : i32
    return %c0_i32, %add3A : i32, i32
  }
}

module attributes {stable_mosaic.version = 14 : i64} {
  func.func @_psum_t_body(%arg0: i32, %arg1: memref<4x64x1024xf32, #tpu.memory_space<vmem>>, %arg2: memref<1024x64xf32, #tpu.memory_space<vmem>>) attributes {dimension_semantics = [#tpu.dimension_semantics<arbitrary>], iteration_bounds = array<i64: 10>, scalar_prefetch = 0 : i64, scratch_operands = 0 : i64, tpu.core_type = #tpu.core_type<tc>, window_params = [{transform_indices = @transform_0, window_bounds = array<i64: 4, 64, 1024>}, {transform_indices = @transform_1, window_bounds = array<i64: 1024, 64>}]} {
    %get3A = arith.constant 0 : index
    %get3A_0 = arith.constant 0 : index
    %get3A_1 = arith.constant 0 : index
    %get3A_2 = vector.load %arg1[%get3A, %get3A_0, %get3A_1] : memref<4x64x1024xf32, #tpu.memory_space<vmem>>, vector<1x64x1024xf32>
    %get3A_3 = vector.shape_cast %get3A_2 : vector<1x64x1024xf32> to vector<64x1024xf32>
    %get3A_4 = arith.constant 1 : index
    %get3A_5 = arith.constant 0 : index
    %get3A_6 = arith.constant 0 : index
    %get3A_7 = vector.load %arg1[%get3A_4, %get3A_5, %get3A_6] : memref<4x64x1024xf32, #tpu.memory_space<vmem>>, vector<1x64x1024xf32>
    %get3A_8 = vector.shape_cast %get3A_7 : vector<1x64x1024xf32> to vector<64x1024xf32>
    %add3A = arith.addf %get3A_3, %get3A_8 : vector<64x1024xf32>
    %get3A_9 = arith.constant 2 : index
    %get3A_10 = arith.constant 0 : index
    %get3A_11 = arith.constant 0 : index
    %get3A_12 = vector.load %arg1[%get3A_9, %get3A_10, %get3A_11] : memref<4x64x1024xf32, #tpu.memory_space<vmem>>, vector<1x64x1024xf32>
    %get3A_13 = vector.shape_cast %get3A_12 : vector<1x64x1024xf32> to vector<64x1024xf32>
    %add3A_14 = arith.addf %add3A, %get3A_13 : vector<64x1024xf32>
    %get3A_15 = arith.constant 3 : index
    %get3A_16 = arith.constant 0 : index
    %get3A_17 = arith.constant 0 : index
    %get3A_18 = vector.load %arg1[%get3A_15, %get3A_16, %get3A_17] : memref<4x64x1024xf32, #tpu.memory_space<vmem>>, vector<1x64x1024xf32>
    %get3A_19 = vector.shape_cast %get3A_18 : vector<1x64x1024xf32> to vector<64x1024xf32>
    %add3A_20 = arith.addf %add3A_14, %get3A_19 : vector<64x1024xf32>
    %transpose3A = tpu.transpose %add3A_20, [1, 0] : vector<64x1024xf32> -> vector<1024x64xf32>
    %swap3A = arith.constant 0 : index
    %swap3A_21 = arith.constant 0 : index
    %swap3A_22 = vector.load %arg2[%swap3A, %swap3A_21] : memref<1024x64xf32, #tpu.memory_space<vmem>>, vector<1024x64xf32>
    tpu.vector_store %arg2[%swap3A, %swap3A_21], %transpose3A {strides = array<i32>} : memref<1024x64xf32, #tpu.memory_space<vmem>>, vector<1024x64xf32>,
    return
  }
  func.func @transform_0(%arg0: i32) -> (i32, i32, i32) {
    %c0_i32 = arith.constant 0 : i32
    %c0_i32_0 = arith.constant 0 : i32
    %c0_i32_1 = arith.constant 0 : i32
    return %c0_i32, %c0_i32_0, %arg0 : i32, i32, i32
  }
  func.func @transform_1(%arg0: i32) -> (i32, i32) {
    %c0_i32 = arith.constant 0 : i32
    %c0_i32_0 = arith.constant 0 : i32
    return %arg0, %c0_i32 : i32, i32
  }
}

module attributes {stable_mosaic.version = 14 : i64} {
  func.func @_node_mlp_body(%arg0: i32, %arg1: memref<1000x64xf32, #tpu.memory_space<vmem>>, %arg2: memref<1000x64xf32, #tpu.memory_space<vmem>>, %arg3: memref<64x64xf32, #tpu.memory_space<vmem>>, %arg4: memref<64x64xf32, #tpu.memory_space<vmem>>, %arg5: memref<1x64xf32, #tpu.memory_space<vmem>>, %arg6: memref<3x64x64xf32, #tpu.memory_space<vmem>>, %arg7: memref<3x1x64xf32, #tpu.memory_space<vmem>>, %arg8: memref<4x1x64xf32, #tpu.memory_space<vmem>>, %arg9: memref<4x1x64xf32, #tpu.memory_space<vmem>>, %arg10: memref<64x128xf32, #tpu.memory_space<vmem>>, %arg11: memref<64x128xf32, #tpu.memory_space<vmem>>, %arg12: memref<1000x128xf32, #tpu.memory_space<vmem>>, %arg13: memref<1000x128xf32, #tpu.memory_space<vmem>>) attributes {dimension_semantics = [#tpu.dimension_semantics<arbitrary>], iteration_bounds = array<i64: 10>, scalar_prefetch = 0 : i64, scratch_operands = 0 : i64, tpu.core_type = #tpu.core_type<tc>, window_params = [{transform_indices = @transform_0, window_bounds = array<i64: 1000, 64>}, {transform_indices = @transform_1, window_bounds = array<i64: 1000, 64>}, {pipeline_mode = #tpu.pipeline_mode<synchronous>, transform_indices = @transform_2, window_bounds = array<i64: 64, 64>}, {pipeline_mode = #tpu.pipeline_mode<synchronous>, transform_indices = @transform_3, window_bounds = array<i64: 64, 64>}, {pipeline_mode = #tpu.pipeline_mode<synchronous>, transform_indices = @transform_4, window_bounds = array<i64: 1, 64>}, {pipeline_mode = #tpu.pipeline_mode<synchronous>, transform_indices = @transform_5, window_bounds = array<i64: 3, 64, 64>}, {pipeline_mode = #tpu.pipeline_mode<synchronous>, transform_indices = @transform_6, window_bounds = array<i64: 3, 1, 64>}, {pipeline_mode = #tpu.pipeline_mode<synchronous>, transform_indices = @transform_7, window_bounds = array<i64: 4, 1, 64>}, {pipeline_mode = #tpu.pipeline_mode<synchronous>, transform_indices = @transform_8, window_bounds = array<i64: 4, 1, 64>}, {pipeline_mode = #tpu.pipeline_mode<synchronous>, transform_indices = @transform_9, window_bounds = array<i64: 64, 128>}, {pipeline_mode = #tpu.pipeline_mode<synchronous>, transform_indices = @transform_10, window_bounds = array<i64: 64, 128>}, {transform_indices = @transform_11, window_bounds = array<i64: 1000, 128>}, {transform_indices = @transform_12, window_bounds = array<i64: 1000, 128>}]} {
    %get3A = arith.constant 0 : index
    %get3A_0 = arith.constant 0 : index
    %get3A_1 = vector.load %arg1[%get3A, %get3A_0] : memref<1000x64xf32, #tpu.memory_space<vmem>>, vector<1000x64xf32>
    %get3A_2 = arith.constant 0 : index
    %get3A_3 = arith.constant 0 : index
    %get3A_4 = vector.load %arg3[%get3A_2, %get3A_3] : memref<64x64xf32, #tpu.memory_space<vmem>>, vector<64x64xf32>
    %dot_general3A = arith.constant dense<0.000000e+00> : vector<1000x64xf32>
    %dot_general3A_5 = tpu.matmul %get3A_1, %get3A_4, %dot_general3A {dimension_numbers = #tpu.dot_dimension_numbers<[1], [0], [0], [1], [0, 0, 1, 1], [], []>, transpose_lhs_hint = false} : vector<1000x64xf32>, vector<64x64xf32>, vector<1000x64xf32> -> vector<1000x64xf32>
    %get3A_6 = arith.constant 0 : index
    %get3A_7 = arith.constant 0 : index
    %get3A_8 = vector.load %arg2[%get3A_6, %get3A_7] : memref<1000x64xf32, #tpu.memory_space<vmem>>, vector<1000x64xf32>
    %get3A_9 = arith.constant 0 : index
    %get3A_10 = arith.constant 0 : index
    %get3A_11 = vector.load %arg4[%get3A_9, %get3A_10] : memref<64x64xf32, #tpu.memory_space<vmem>>, vector<64x64xf32>
    %dot_general3A_12 = arith.constant dense<0.000000e+00> : vector<1000x64xf32>
    %dot_general3A_13 = tpu.matmul %get3A_8, %get3A_11, %dot_general3A_12 {dimension_numbers = #tpu.dot_dimension_numbers<[1], [0], [0], [1], [0, 0, 1, 1], [], []>, transpose_lhs_hint = false} : vector<1000x64xf32>, vector<64x64xf32>, vector<1000x64xf32> -> vector<1000x64xf32>
    %add3A = arith.addf %dot_general3A_5, %dot_general3A_13 : vector<1000x64xf32>
    %get3A_14 = arith.constant 0 : index
    %get3A_15 = arith.constant 0 : index
    %get3A_16 = vector.load %arg5[%get3A_14, %get3A_15] : memref<1x64xf32, #tpu.memory_space<vmem>>, vector<1x64xf32>
    %add3A_17 = vector.broadcast %get3A_16 : vector<1x64xf32> to vector<1000x64xf32>
    %add3A_18 = arith.addf %add3A, %add3A_17 : vector<1000x64xf32>
    %get3A_19 = arith.constant 0 : index
    %get3A_20 = arith.constant 0 : index
    %get3A_21 = arith.constant 0 : index
    %get3A_22 = vector.load %arg8[%get3A_19, %get3A_20, %get3A_21] : memref<4x1x64xf32, #tpu.memory_space<vmem>>, vector<1x1x64xf32>
    %get3A_23 = vector.shape_cast %get3A_22 : vector<1x1x64xf32> to vector<1x64xf32>
    %get3A_24 = arith.constant 0 : index
    %get3A_25 = arith.constant 0 : index
    %get3A_26 = arith.constant 0 : index
    %get3A_27 = vector.load %arg9[%get3A_24, %get3A_25, %get3A_26] : memref<4x1x64xf32, #tpu.memory_space<vmem>>, vector<1x1x64xf32>
    %get3A_28 = vector.shape_cast %get3A_27 : vector<1x1x64xf32> to vector<1x64xf32>
    %reduce_sum3A = arith.constant dense<0.000000e+00> : vector<1000xf32>
    %reduce_sum3A_29 = vector.multi_reduction <add>, %add3A_18, %reduce_sum3A [1] : vector<1000x64xf32> to vector<1000xf32>
    %broadcast_in_dim3A = vector.shape_cast %reduce_sum3A_29 : vector<1000xf32> to vector<1000x1xf32>
    %div3A = arith.constant 6.400000e+01 : f32
    %div3A_30 = vector.broadcast %div3A : f32 to vector<1000x1xf32>
    %div3A_31 = arith.divf %broadcast_in_dim3A, %div3A_30 : vector<1000x1xf32>
    %sub3A = vector.broadcast %div3A_31 : vector<1000x1xf32> to vector<1000x64xf32>
    %sub3A_32 = arith.subf %add3A_18, %sub3A : vector<1000x64xf32>
    %integer_pow3A = arith.mulf %sub3A_32, %sub3A_32 : vector<1000x64xf32>
    %reduce_sum3A_33 = arith.constant dense<0.000000e+00> : vector<1000xf32>
    %reduce_sum3A_34 = vector.multi_reduction <add>, %integer_pow3A, %reduce_sum3A_33 [1] : vector<1000x64xf32> to vector<1000xf32>
    %broadcast_in_dim3A_35 = vector.shape_cast %reduce_sum3A_34 : vector<1000xf32> to vector<1000x1xf32>
    %div3A_36 = arith.constant 6.400000e+01 : f32
    %div3A_37 = vector.broadcast %div3A_36 : f32 to vector<1000x1xf32>
    %div3A_38 = arith.divf %broadcast_in_dim3A_35, %div3A_37 : vector<1000x1xf32>
    %sub3A_39 = vector.broadcast %div3A_31 : vector<1000x1xf32> to vector<1000x64xf32>
    %sub3A_40 = arith.subf %add3A_18, %sub3A_39 : vector<1000x64xf32>
    %add3A_41 = arith.constant 9.99999974E-6 : f32
    %add3A_42 = vector.broadcast %add3A_41 : f32 to vector<1000x1xf32>
    %add3A_43 = arith.addf %div3A_38, %add3A_42 : vector<1000x1xf32>
    %rsqrt3A = math.rsqrt %add3A_43 : vector<1000x1xf32>
    %mul3A = vector.broadcast %rsqrt3A : vector<1000x1xf32> to vector<1000x64xf32>
    %mul3A_44 = arith.mulf %sub3A_40, %mul3A : vector<1000x64xf32>
    %mul3A_45 = vector.broadcast %get3A_23 : vector<1x64xf32> to vector<1000x64xf32>
    %mul3A_46 = arith.mulf %mul3A_44, %mul3A_45 : vector<1000x64xf32>
    %add3A_47 = vector.broadcast %get3A_28 : vector<1x64xf32> to vector<1000x64xf32>
    %add3A_48 = arith.addf %mul3A_46, %add3A_47 : vector<1000x64xf32>
    %max3A = arith.constant 0.000000e+00 : f32
    %max3A_49 = vector.broadcast %max3A : f32 to vector<1000x64xf32>
    %max3A_50 = arith.maximumf %add3A_48, %max3A_49 : vector<1000x64xf32>
    %get3A_51 = arith.constant 0 : index
    %get3A_52 = arith.constant 0 : index
    %get3A_53 = arith.constant 0 : index
    %get3A_54 = vector.load %arg6[%get3A_51, %get3A_52, %get3A_53] : memref<3x64x64xf32, #tpu.memory_space<vmem>>, vector<1x64x64xf32>
    %get3A_55 = vector.shape_cast %get3A_54 : vector<1x64x64xf32> to vector<64x64xf32>
    %dot_general3A_56 = arith.constant dense<0.000000e+00> : vector<1000x64xf32>
    %dot_general3A_57 = tpu.matmul %max3A_50, %get3A_55, %dot_general3A_56 {dimension_numbers = #tpu.dot_dimension_numbers<[1], [0], [0], [1], [0, 0, 1, 1], [], []>, transpose_lhs_hint = false} : vector<1000x64xf32>, vector<64x64xf32>, vector<1000x64xf32> -> vector<1000x64xf32>
    %get3A_58 = arith.constant 0 : index
    %get3A_59 = arith.constant 0 : index
    %get3A_60 = arith.constant 0 : index
    %get3A_61 = vector.load %arg7[%get3A_58, %get3A_59, %get3A_60] : memref<3x1x64xf32, #tpu.memory_space<vmem>>, vector<1x1x64xf32>
    %get3A_62 = vector.shape_cast %get3A_61 : vector<1x1x64xf32> to vector<1x64xf32>
    %add3A_63 = vector.broadcast %get3A_62 : vector<1x64xf32> to vector<1000x64xf32>
    %add3A_64 = arith.addf %dot_general3A_57, %add3A_63 : vector<1000x64xf32>
    %get3A_65 = arith.constant 1 : index
    %get3A_66 = arith.constant 0 : index
    %get3A_67 = arith.constant 0 : index
    %get3A_68 = vector.load %arg8[%get3A_65, %get3A_66, %get3A_67] : memref<4x1x64xf32, #tpu.memory_space<vmem>>, vector<1x1x64xf32>
    %get3A_69 = vector.shape_cast %get3A_68 : vector<1x1x64xf32> to vector<1x64xf32>
    %get3A_70 = arith.constant 1 : index
    %get3A_71 = arith.constant 0 : index
    %get3A_72 = arith.constant 0 : index
    %get3A_73 = vector.load %arg9[%get3A_70, %get3A_71, %get3A_72] : memref<4x1x64xf32, #tpu.memory_space<vmem>>, vector<1x1x64xf32>
    %get3A_74 = vector.shape_cast %get3A_73 : vector<1x1x64xf32> to vector<1x64xf32>
    %reduce_sum3A_75 = arith.constant dense<0.000000e+00> : vector<1000xf32>
    %reduce_sum3A_76 = vector.multi_reduction <add>, %add3A_64, %reduce_sum3A_75 [1] : vector<1000x64xf32> to vector<1000xf32>
    %broadcast_in_dim3A_77 = vector.shape_cast %reduce_sum3A_76 : vector<1000xf32> to vector<1000x1xf32>
    %div3A_78 = arith.constant 6.400000e+01 : f32
    %div3A_79 = vector.broadcast %div3A_78 : f32 to vector<1000x1xf32>
    %div3A_80 = arith.divf %broadcast_in_dim3A_77, %div3A_79 : vector<1000x1xf32>
    %sub3A_81 = vector.broadcast %div3A_80 : vector<1000x1xf32> to vector<1000x64xf32>
    %sub3A_82 = arith.subf %add3A_64, %sub3A_81 : vector<1000x64xf32>
    %integer_pow3A_83 = arith.mulf %sub3A_82, %sub3A_82 : vector<1000x64xf32>
    %reduce_sum3A_84 = arith.constant dense<0.000000e+00> : vector<1000xf32>
    %reduce_sum3A_85 = vector.multi_reduction <add>, %integer_pow3A_83, %reduce_sum3A_84 [1] : vector<1000x64xf32> to vector<1000xf32>
    %broadcast_in_dim3A_86 = vector.shape_cast %reduce_sum3A_85 : vector<1000xf32> to vector<1000x1xf32>
    %div3A_87 = arith.constant 6.400000e+01 : f32
    %div3A_88 = vector.broadcast %div3A_87 : f32 to vector<1000x1xf32>
    %div3A_89 = arith.divf %broadcast_in_dim3A_86, %div3A_88 : vector<1000x1xf32>
    %sub3A_90 = vector.broadcast %div3A_80 : vector<1000x1xf32> to vector<1000x64xf32>
    %sub3A_91 = arith.subf %add3A_64, %sub3A_90 : vector<1000x64xf32>
    %add3A_92 = arith.constant 9.99999974E-6 : f32
    %add3A_93 = vector.broadcast %add3A_92 : f32 to vector<1000x1xf32>
    %add3A_94 = arith.addf %div3A_89, %add3A_93 : vector<1000x1xf32>
    %rsqrt3A_95 = math.rsqrt %add3A_94 : vector<1000x1xf32>
    %mul3A_96 = vector.broadcast %rsqrt3A_95 : vector<1000x1xf32> to vector<1000x64xf32>
    %mul3A_97 = arith.mulf %sub3A_91, %mul3A_96 : vector<1000x64xf32>
    %mul3A_98 = vector.broadcast %get3A_69 : vector<1x64xf32> to vector<1000x64xf32>
    %mul3A_99 = arith.mulf %mul3A_97, %mul3A_98 : vector<1000x64xf32>
    %add3A_100 = vector.broadcast %get3A_74 : vector<1x64xf32> to vector<1000x64xf32>
    %add3A_101 = arith.addf %mul3A_99, %add3A_100 : vector<1000x64xf32>
    %max3A_102 = arith.constant 0.000000e+00 : f32
    %max3A_103 = vector.broadcast %max3A_102 : f32 to vector<1000x64xf32>
    %max3A_104 = arith.maximumf %add3A_101, %max3A_103 : vector<1000x64xf32>
    %get3A_105 = arith.constant 1 : index
    %get3A_106 = arith.constant 0 : index
    %get3A_107 = arith.constant 0 : index
    %get3A_108 = vector.load %arg6[%get3A_105, %get3A_106, %get3A_107] : memref<3x64x64xf32, #tpu.memory_space<vmem>>, vector<1x64x64xf32>
    %get3A_109 = vector.shape_cast %get3A_108 : vector<1x64x64xf32> to vector<64x64xf32>
    %dot_general3A_110 = arith.constant dense<0.000000e+00> : vector<1000x64xf32>
    %dot_general3A_111 = tpu.matmul %max3A_104, %get3A_109, %dot_general3A_110 {dimension_numbers = #tpu.dot_dimension_numbers<[1], [0], [0], [1], [0, 0, 1, 1], [], []>, transpose_lhs_hint = false} : vector<1000x64xf32>, vector<64x64xf32>, vector<1000x64xf32> -> vector<1000x64xf32>
    %get3A_112 = arith.constant 1 : index
    %get3A_113 = arith.constant 0 : index
    %get3A_114 = arith.constant 0 : index
    %get3A_115 = vector.load %arg7[%get3A_112, %get3A_113, %get3A_114] : memref<3x1x64xf32, #tpu.memory_space<vmem>>, vector<1x1x64xf32>
    %get3A_116 = vector.shape_cast %get3A_115 : vector<1x1x64xf32> to vector<1x64xf32>
    %add3A_117 = vector.broadcast %get3A_116 : vector<1x64xf32> to vector<1000x64xf32>
    %add3A_118 = arith.addf %dot_general3A_111, %add3A_117 : vector<1000x64xf32>
    %get3A_119 = arith.constant 2 : index
    %get3A_120 = arith.constant 0 : index
    %get3A_121 = arith.constant 0 : index
    %get3A_122 = vector.load %arg8[%get3A_119, %get3A_120, %get3A_121] : memref<4x1x64xf32, #tpu.memory_space<vmem>>, vector<1x1x64xf32>
    %get3A_123 = vector.shape_cast %get3A_122 : vector<1x1x64xf32> to vector<1x64xf32>
    %get3A_124 = arith.constant 2 : index
    %get3A_125 = arith.constant 0 : index
    %get3A_126 = arith.constant 0 : index
    %get3A_127 = vector.load %arg9[%get3A_124, %get3A_125, %get3A_126] : memref<4x1x64xf32, #tpu.memory_space<vmem>>, vector<1x1x64xf32>
    %get3A_128 = vector.shape_cast %get3A_127 : vector<1x1x64xf32> to vector<1x64xf32>
    %reduce_sum3A_129 = arith.constant dense<0.000000e+00> : vector<1000xf32>
    %reduce_sum3A_130 = vector.multi_reduction <add>, %add3A_118, %reduce_sum3A_129 [1] : vector<1000x64xf32> to vector<1000xf32>
    %broadcast_in_dim3A_131 = vector.shape_cast %reduce_sum3A_130 : vector<1000xf32> to vector<1000x1xf32>
    %div3A_132 = arith.constant 6.400000e+01 : f32
    %div3A_133 = vector.broadcast %div3A_132 : f32 to vector<1000x1xf32>
    %div3A_134 = arith.divf %broadcast_in_dim3A_131, %div3A_133 : vector<1000x1xf32>
    %sub3A_135 = vector.broadcast %div3A_134 : vector<1000x1xf32> to vector<1000x64xf32>
    %sub3A_136 = arith.subf %add3A_118, %sub3A_135 : vector<1000x64xf32>
    %integer_pow3A_137 = arith.mulf %sub3A_136, %sub3A_136 : vector<1000x64xf32>
    %reduce_sum3A_138 = arith.constant dense<0.000000e+00> : vector<1000xf32>
    %reduce_sum3A_139 = vector.multi_reduction <add>, %integer_pow3A_137, %reduce_sum3A_138 [1] : vector<1000x64xf32> to vector<1000xf32>
    %broadcast_in_dim3A_140 = vector.shape_cast %reduce_sum3A_139 : vector<1000xf32> to vector<1000x1xf32>
    %div3A_141 = arith.constant 6.400000e+01 : f32
    %div3A_142 = vector.broadcast %div3A_141 : f32 to vector<1000x1xf32>
    %div3A_143 = arith.divf %broadcast_in_dim3A_140, %div3A_142 : vector<1000x1xf32>
    %sub3A_144 = vector.broadcast %div3A_134 : vector<1000x1xf32> to vector<1000x64xf32>
    %sub3A_145 = arith.subf %add3A_118, %sub3A_144 : vector<1000x64xf32>
    %add3A_146 = arith.constant 9.99999974E-6 : f32
    %add3A_147 = vector.broadcast %add3A_146 : f32 to vector<1000x1xf32>
    %add3A_148 = arith.addf %div3A_143, %add3A_147 : vector<1000x1xf32>
    %rsqrt3A_149 = math.rsqrt %add3A_148 : vector<1000x1xf32>
    %mul3A_150 = vector.broadcast %rsqrt3A_149 : vector<1000x1xf32> to vector<1000x64xf32>
    %mul3A_151 = arith.mulf %sub3A_145, %mul3A_150 : vector<1000x64xf32>
    %mul3A_152 = vector.broadcast %get3A_123 : vector<1x64xf32> to vector<1000x64xf32>
    %mul3A_153 = arith.mulf %mul3A_151, %mul3A_152 : vector<1000x64xf32>
    %add3A_154 = vector.broadcast %get3A_128 : vector<1x64xf32> to vector<1000x64xf32>
    %add3A_155 = arith.addf %mul3A_153, %add3A_154 : vector<1000x64xf32>
    %max3A_156 = arith.constant 0.000000e+00 : f32
    %max3A_157 = vector.broadcast %max3A_156 : f32 to vector<1000x64xf32>
    %max3A_158 = arith.maximumf %add3A_155, %max3A_157 : vector<1000x64xf32>
    %get3A_159 = arith.constant 2 : index
    %get3A_160 = arith.constant 0 : index
    %get3A_161 = arith.constant 0 : index
    %get3A_162 = vector.load %arg6[%get3A_159, %get3A_160, %get3A_161] : memref<3x64x64xf32, #tpu.memory_space<vmem>>, vector<1x64x64xf32>
    %get3A_163 = vector.shape_cast %get3A_162 : vector<1x64x64xf32> to vector<64x64xf32>
    %dot_general3A_164 = arith.constant dense<0.000000e+00> : vector<1000x64xf32>
    %dot_general3A_165 = tpu.matmul %max3A_158, %get3A_163, %dot_general3A_164 {dimension_numbers = #tpu.dot_dimension_numbers<[1], [0], [0], [1], [0, 0, 1, 1], [], []>, transpose_lhs_hint = false} : vector<1000x64xf32>, vector<64x64xf32>, vector<1000x64xf32> -> vector<1000x64xf32>
    %get3A_166 = arith.constant 2 : index
    %get3A_167 = arith.constant 0 : index
    %get3A_168 = arith.constant 0 : index
    %get3A_169 = vector.load %arg7[%get3A_166, %get3A_167, %get3A_168] : memref<3x1x64xf32, #tpu.memory_space<vmem>>, vector<1x1x64xf32>
    %get3A_170 = vector.shape_cast %get3A_169 : vector<1x1x64xf32> to vector<1x64xf32>
    %add3A_171 = vector.broadcast %get3A_170 : vector<1x64xf32> to vector<1000x64xf32>
    %add3A_172 = arith.addf %dot_general3A_165, %add3A_171 : vector<1000x64xf32>
    %get3A_173 = arith.constant 3 : index
    %get3A_174 = arith.constant 0 : index
    %get3A_175 = arith.constant 0 : index
    %get3A_176 = vector.load %arg8[%get3A_173, %get3A_174, %get3A_175] : memref<4x1x64xf32, #tpu.memory_space<vmem>>, vector<1x1x64xf32>
    %get3A_177 = vector.shape_cast %get3A_176 : vector<1x1x64xf32> to vector<1x64xf32>
    %get3A_178 = arith.constant 3 : index
    %get3A_179 = arith.constant 0 : index
    %get3A_180 = arith.constant 0 : index
    %get3A_181 = vector.load %arg9[%get3A_178, %get3A_179, %get3A_180] : memref<4x1x64xf32, #tpu.memory_space<vmem>>, vector<1x1x64xf32>
    %get3A_182 = vector.shape_cast %get3A_181 : vector<1x1x64xf32> to vector<1x64xf32>
    %reduce_sum3A_183 = arith.constant dense<0.000000e+00> : vector<1000xf32>
    %reduce_sum3A_184 = vector.multi_reduction <add>, %add3A_172, %reduce_sum3A_183 [1] : vector<1000x64xf32> to vector<1000xf32>
    %broadcast_in_dim3A_185 = vector.shape_cast %reduce_sum3A_184 : vector<1000xf32> to vector<1000x1xf32>
    %div3A_186 = arith.constant 6.400000e+01 : f32
    %div3A_187 = vector.broadcast %div3A_186 : f32 to vector<1000x1xf32>
    %div3A_188 = arith.divf %broadcast_in_dim3A_185, %div3A_187 : vector<1000x1xf32>
    %sub3A_189 = vector.broadcast %div3A_188 : vector<1000x1xf32> to vector<1000x64xf32>
    %sub3A_190 = arith.subf %add3A_172, %sub3A_189 : vector<1000x64xf32>
    %integer_pow3A_191 = arith.mulf %sub3A_190, %sub3A_190 : vector<1000x64xf32>
    %reduce_sum3A_192 = arith.constant dense<0.000000e+00> : vector<1000xf32>
    %reduce_sum3A_193 = vector.multi_reduction <add>, %integer_pow3A_191, %reduce_sum3A_192 [1] : vector<1000x64xf32> to vector<1000xf32>
    %broadcast_in_dim3A_194 = vector.shape_cast %reduce_sum3A_193 : vector<1000xf32> to vector<1000x1xf32>
    %div3A_195 = arith.constant 6.400000e+01 : f32
    %div3A_196 = vector.broadcast %div3A_195 : f32 to vector<1000x1xf32>
    %div3A_197 = arith.divf %broadcast_in_dim3A_194, %div3A_196 : vector<1000x1xf32>
    %sub3A_198 = vector.broadcast %div3A_188 : vector<1000x1xf32> to vector<1000x64xf32>
    %sub3A_199 = arith.subf %add3A_172, %sub3A_198 : vector<1000x64xf32>
    %add3A_200 = arith.constant 9.99999974E-6 : f32
    %add3A_201 = vector.broadcast %add3A_200 : f32 to vector<1000x1xf32>
    %add3A_202 = arith.addf %div3A_197, %add3A_201 : vector<1000x1xf32>
    %rsqrt3A_203 = math.rsqrt %add3A_202 : vector<1000x1xf32>
    %mul3A_204 = vector.broadcast %rsqrt3A_203 : vector<1000x1xf32> to vector<1000x64xf32>
    %mul3A_205 = arith.mulf %sub3A_199, %mul3A_204 : vector<1000x64xf32>
    %mul3A_206 = vector.broadcast %get3A_177 : vector<1x64xf32> to vector<1000x64xf32>
    %mul3A_207 = arith.mulf %mul3A_205, %mul3A_206 : vector<1000x64xf32>
    %add3A_208 = vector.broadcast %get3A_182 : vector<1x64xf32> to vector<1000x64xf32>
    %add3A_209 = arith.addf %mul3A_207, %add3A_208 : vector<1000x64xf32>
    %max3A_210 = arith.constant 0.000000e+00 : f32
    %max3A_211 = vector.broadcast %max3A_210 : f32 to vector<1000x64xf32>
    %max3A_212 = arith.maximumf %add3A_209, %max3A_211 : vector<1000x64xf32>
    %add3A_213 = arith.addf %max3A_212, %get3A_1 : vector<1000x64xf32>
    %get3A_214 = arith.constant 0 : index
    %get3A_215 = arith.constant 0 : index
    %get3A_216 = vector.load %arg10[%get3A_214, %get3A_215] : memref<64x128xf32, #tpu.memory_space<vmem>>, vector<64x128xf32>
    %dot_general3A_217 = arith.constant dense<0.000000e+00> : vector<1000x128xf32>
    %dot_general3A_218 = tpu.matmul %add3A_213, %get3A_216, %dot_general3A_217 {dimension_numbers = #tpu.dot_dimension_numbers<[1], [0], [0], [1], [0, 0, 1, 1], [], []>, transpose_lhs_hint = false} : vector<1000x64xf32>, vector<64x128xf32>, vector<1000x128xf32> -> vector<1000x128xf32>
    %swap3A = arith.constant 0 : index
    %swap3A_219 = arith.constant 0 : index
    %swap3A_220 = vector.load %arg12[%swap3A, %swap3A_219] : memref<1000x128xf32, #tpu.memory_space<vmem>>, vector<1000x128xf32>
    tpu.vector_store %arg12[%swap3A, %swap3A_219], %dot_general3A_218 {strides = array<i32>} : memref<1000x128xf32, #tpu.memory_space<vmem>>, vector<1000x128xf32>,
    %get3A_221 = arith.constant 0 : index
    %get3A_222 = arith.constant 0 : index
    %get3A_223 = vector.load %arg11[%get3A_221, %get3A_222] : memref<64x128xf32, #tpu.memory_space<vmem>>, vector<64x128xf32>
    %dot_general3A_224 = arith.constant dense<0.000000e+00> : vector<1000x128xf32>
    %dot_general3A_225 = tpu.matmul %add3A_213, %get3A_223, %dot_general3A_224 {dimension_numbers = #tpu.dot_dimension_numbers<[1], [0], [0], [1], [0, 0, 1, 1], [], []>, transpose_lhs_hint = false} : vector<1000x64xf32>, vector<64x128xf32>, vector<1000x128xf32> -> vector<1000x128xf32>
    %swap3A_226 = arith.constant 0 : index
    %swap3A_227 = arith.constant 0 : index
    %swap3A_228 = vector.load %arg13[%swap3A_226, %swap3A_227] : memref<1000x128xf32, #tpu.memory_space<vmem>>, vector<1000x128xf32>
    tpu.vector_store %arg13[%swap3A_226, %swap3A_227], %dot_general3A_225 {strides = array<i32>} : memref<1000x128xf32, #tpu.memory_space<vmem>>, vector<1000x128xf32>,
    return
  }
  func.func @transform_0(%arg0: i32) -> (i32, i32) {
    %c0_i32 = arith.constant 0 : i32
    %c0_i32_0 = arith.constant 0 : i32
    return %arg0, %c0_i32 : i32, i32
  }
  func.func @transform_1(%arg0: i32) -> (i32, i32) {
    %c0_i32 = arith.constant 0 : i32
    %c0_i32_0 = arith.constant 0 : i32
    return %arg0, %c0_i32 : i32, i32
  }
  func.func @transform_2(%arg0: i32) -> (i32, i32) {
    %c0_i32 = arith.constant 0 : i32
    %c0_i32_0 = arith.constant 0 : i32
    %c0_i32_1 = arith.constant 0 : i32
    return %c0_i32, %c0_i32_0 : i32, i32
  }
  func.func @transform_3(%arg0: i32) -> (i32, i32) {
    %c0_i32 = arith.constant 0 : i32
    %c0_i32_0 = arith.constant 0 : i32
    %c0_i32_1 = arith.constant 0 : i32
    return %c0_i32, %c0_i32_0 : i32, i32
  }
  func.func @transform_4(%arg0: i32) -> (i32, i32) {
    %c0_i32 = arith.constant 0 : i32
    %c0_i32_0 = arith.constant 0 : i32
    %c0_i32_1 = arith.constant 0 : i32
    return %c0_i32, %c0_i32_0 : i32, i32
  }
  func.func @transform_5(%arg0: i32) -> (i32, i32, i32) {
    %c0_i32 = arith.constant 0 : i32
    %c0_i32_0 = arith.constant 0 : i32
    %c0_i32_1 = arith.constant 0 : i32
    %c0_i32_2 = arith.constant 0 : i32
    return %c0_i32, %c0_i32_0, %c0_i32_1 : i32, i32, i32
  }
  func.func @transform_6(%arg0: i32) -> (i32, i32, i32) {
    %c0_i32 = arith.constant 0 : i32
    %c0_i32_0 = arith.constant 0 : i32
    %c0_i32_1 = arith.constant 0 : i32
    %c0_i32_2 = arith.constant 0 : i32
    return %c0_i32, %c0_i32_0, %c0_i32_1 : i32, i32, i32
  }
  func.func @transform_7(%arg0: i32) -> (i32, i32, i32) {
    %c0_i32 = arith.constant 0 : i32
    %c0_i32_0 = arith.constant 0 : i32
    %c0_i32_1 = arith.constant 0 : i32
    %c0_i32_2 = arith.constant 0 : i32
    return %c0_i32, %c0_i32_0, %c0_i32_1 : i32, i32, i32
  }
  func.func @transform_8(%arg0: i32) -> (i32, i32, i32) {
    %c0_i32 = arith.constant 0 : i32
    %c0_i32_0 = arith.constant 0 : i32
    %c0_i32_1 = arith.constant 0 : i32
    %c0_i32_2 = arith.constant 0 : i32
    return %c0_i32, %c0_i32_0, %c0_i32_1 : i32, i32, i32
  }
  func.func @transform_9(%arg0: i32) -> (i32, i32) {
    %c0_i32 = arith.constant 0 : i32
    %c0_i32_0 = arith.constant 0 : i32
    %c0_i32_1 = arith.constant 0 : i32
    return %c0_i32, %c0_i32_0 : i32, i32
  }
  func.func @transform_10(%arg0: i32) -> (i32, i32) {
    %c0_i32 = arith.constant 0 : i32
    %c0_i32_0 = arith.constant 0 : i32
    %c0_i32_1 = arith.constant 0 : i32
    return %c0_i32, %c0_i32_0 : i32, i32
  }
  func.func @transform_11(%arg0: i32) -> (i32, i32) {
    %c0_i32 = arith.constant 0 : i32
    %c0_i32_0 = arith.constant 0 : i32
    return %arg0, %c0_i32 : i32, i32
  }
  func.func @transform_12(%arg0: i32) -> (i32, i32) {
    %c0_i32 = arith.constant 0 : i32
    %c0_i32_0 = arith.constant 0 : i32
    return %arg0, %c0_i32 : i32, i32
  }
}

module attributes {stable_mosaic.version = 14 : i64} {
  func.func @_clf_body(%arg0: i32, %arg1: memref<512x128xf32, #tpu.memory_space<vmem>>, %arg2: memref<512x128xf32, #tpu.memory_space<vmem>>, %arg3: memref<1x128xf32, #tpu.memory_space<vmem>>, %arg4: memref<2x128xf32, #tpu.memory_space<vmem>>, %arg5: memref<2x1xf32, #tpu.memory_space<vmem>>, %arg6: memref<2x512xf32, #tpu.memory_space<vmem>>) attributes {dimension_semantics = [#tpu.dimension_semantics<arbitrary>], iteration_bounds = array<i64: 625>, scalar_prefetch = 0 : i64, scratch_operands = 0 : i64, tpu.core_type = #tpu.core_type<tc>, window_params = [{transform_indices = @transform_0, window_bounds = array<i64: 512, 128>}, {transform_indices = @transform_1, window_bounds = array<i64: 512, 128>}, {pipeline_mode = #tpu.pipeline_mode<synchronous>, transform_indices = @transform_2, window_bounds = array<i64: 1, 128>}, {pipeline_mode = #tpu.pipeline_mode<synchronous>, transform_indices = @transform_3, window_bounds = array<i64: 2, 128>}, {pipeline_mode = #tpu.pipeline_mode<synchronous>, transform_indices = @transform_4, window_bounds = array<i64: 2, 1>}, {transform_indices = @transform_5, window_bounds = array<i64: 2, 512>}]} {
    %get3A = arith.constant 0 : index
    %get3A_0 = arith.constant 0 : index
    %get3A_1 = vector.load %arg1[%get3A, %get3A_0] : memref<512x128xf32, #tpu.memory_space<vmem>>, vector<512x128xf32>
    %get3A_2 = arith.constant 0 : index
    %get3A_3 = arith.constant 0 : index
    %get3A_4 = vector.load %arg2[%get3A_2, %get3A_3] : memref<512x128xf32, #tpu.memory_space<vmem>>, vector<512x128xf32>
    %add3A = arith.addf %get3A_1, %get3A_4 : vector<512x128xf32>
    %get3A_5 = arith.constant 0 : index
    %get3A_6 = arith.constant 0 : index
    %get3A_7 = vector.load %arg3[%get3A_5, %get3A_6] : memref<1x128xf32, #tpu.memory_space<vmem>>, vector<1x128xf32>
    %add3A_8 = vector.broadcast %get3A_7 : vector<1x128xf32> to vector<512x128xf32>
    %add3A_9 = arith.addf %add3A, %add3A_8 : vector<512x128xf32>
    %max3A = arith.constant 0.000000e+00 : f32
    %max3A_10 = vector.broadcast %max3A : f32 to vector<512x128xf32>
    %max3A_11 = arith.maximumf %add3A_9, %max3A_10 : vector<512x128xf32>
    %get3A_12 = arith.constant 0 : index
    %get3A_13 = arith.constant 0 : index
    %get3A_14 = vector.load %arg4[%get3A_12, %get3A_13] : memref<2x128xf32, #tpu.memory_space<vmem>>, vector<2x128xf32>
    %dot_general3A = arith.constant dense<0.000000e+00> : vector<2x512xf32>
    %dot_general3A_15 = tpu.matmul %get3A_14, %max3A_11, %dot_general3A {dimension_numbers = #tpu.dot_dimension_numbers<[1], [1], [0], [0], [0, 0, 1, 0], [], []>, transpose_lhs_hint = false} : vector<2x128xf32>, vector<512x128xf32>, vector<2x512xf32> -> vector<2x512xf32>
    %get3A_16 = arith.constant 0 : index
    %get3A_17 = arith.constant 0 : index
    %get3A_18 = vector.load %arg5[%get3A_16, %get3A_17] : memref<2x1xf32, #tpu.memory_space<vmem>>, vector<2x1xf32>
    %add3A_19 = vector.broadcast %get3A_18 : vector<2x1xf32> to vector<2x512xf32>
    %add3A_20 = arith.addf %dot_general3A_15, %add3A_19 : vector<2x512xf32>
    %swap3A = arith.constant 0 : index
    %swap3A_21 = arith.constant 0 : index
    %swap3A_22 = vector.load %arg6[%swap3A, %swap3A_21] : memref<2x512xf32, #tpu.memory_space<vmem>>, vector<2x512xf32>
    tpu.vector_store %arg6[%swap3A, %swap3A_21], %add3A_20 {strides = array<i32>} : memref<2x512xf32, #tpu.memory_space<vmem>>, vector<2x512xf32>,
    return
  }
  func.func @transform_0(%arg0: i32) -> (i32, i32) {
    %c0_i32 = arith.constant 0 : i32
    %c0_i32_0 = arith.constant 0 : i32
    return %arg0, %c0_i32 : i32, i32
  }
  func.func @transform_1(%arg0: i32) -> (i32, i32) {
    %add3A = arith.constant 625 : i32
    %add3A_0 = arith.addi %arg0, %add3A : i32
    %c0_i32 = arith.constant 0 : i32
    %c0_i32_1 = arith.constant 0 : i32
    return %add3A_0, %c0_i32 : i32, i32
  }
  func.func @transform_2(%arg0: i32) -> (i32, i32) {
    %c0_i32 = arith.constant 0 : i32
    %c0_i32_0 = arith.constant 0 : i32
    %c0_i32_1 = arith.constant 0 : i32
    return %c0_i32, %c0_i32_0 : i32, i32
  }
  func.func @transform_3(%arg0: i32) -> (i32, i32) {
    %c0_i32 = arith.constant 0 : i32
    %c0_i32_0 = arith.constant 0 : i32
    %c0_i32_1 = arith.constant 0 : i32
    return %c0_i32, %c0_i32_0 : i32, i32
  }
  func.func @transform_4(%arg0: i32) -> (i32, i32) {
    %c0_i32 = arith.constant 0 : i32
    %c0_i32_0 = arith.constant 0 : i32
    %c0_i32_1 = arith.constant 0 : i32
    return %c0_i32, %c0_i32_0 : i32, i32
  }
  func.func @transform_5(%arg0: i32) -> (i32, i32) {
    %c0_i32 = arith.constant 0 : i32
    %c0_i32_0 = arith.constant 0 : i32
    return %c0_i32, %arg0 : i32, i32
  }
}

</mosaic_0001>

<sc_bundles>
// kernel: kernel.10.cloned.1.call-start
scs
__scs_entry_jumppad:
0x0: {  	(pc) =	sbr.rel $0x88, $3  }
0x1: {  	(tag) =	ssettag $0x0;
	lr =	simm.s32 $0x1  }
0x2: {  	[smem:$0x3F7B] =	sst lr;
	_ =	strace $0xD0000000  }
0x3: {  	_ = 	snop  }
0x4: {  	_ = 	snop  }
0x5: {  	_ = 	snop  }
0x6: {  	_ = 	snop  }
0x7: {  	_ = 	snop  }
__scs_overlays_trampoline_lowered:
0x8: {  	[smem:$0x3F8A] =	sst s0  }
0x9: {  	[smem:$0x3F8B] =	sst s1  }
0xa: {  	[smem:$0x3F8C] =	sst s2  }
0xb: {  	[smem:$0x3F8D] =	sst s3  }
0xc: {  	[smem:$0x3F8E] =	sst s4  }
0xd: {  	[smem:$0x3F8F] =	sst s5  }
0xe: {  	[smem:$0x3F90] =	sst s6  }
0xf: {  	[smem:$0x3F91] =	sst s7  }
0x10: {  	[smem:$0x3F92] =	sst s8  }
0x11: {  	[smem:$0x3F93] =	sst s9;
	s0 =	simm.s32 @!p0 $0x0  }
0x12: {  	s1 =	sld [smem:$0x3F79];
	s0 =	simm.s32 @p0 $0x1  }
0x13: {  	[smem:$0x3F94] =	sst s0;
	s0 =	simm.s32 @!p1 $0x0  }
0x14: {  	s2 =	sld [smem:$0x3F78];
	s0 =	simm.s32 @p1 $0x1  }
0x15: {  	[smem:$0x3F95] =	sst s0;
	s0 =	simm.s32 @!p2 $0x0  }
0x16: {  	s3 =	sld [smem:$0x3FDB];
	s0 =	simm.s32 @p2 $0x1  }
0x17: {  	s4 =	simm.s32 $0x1BF5;
	[smem:$0x3F97] =	sst s0  }
0x18: {  	s0 =	sld [smem:$0x3F7A];
	_ =	swait.ge [sflag:s4], $0x0  }
0x19: {  	s7 =	sld [smem:$0x3F7B]  }
0x1a: {  	s8 =	sadd.s32 $0xFFFFE003, lr  }
0x1b: {  	s9 =	sadd.s32 $0xFFFFFEF7, lr;
	s5 =	simm.s32 $0xFFFFFFFF;
	p2 =	slt.u32 s8, $0xFFFFF086  }
0x1c: {  	p1 =	slt.u32 s9, $0xF7A;
	s5 =	simm.s32 @!p2 $0x0  }
0x1d: {  	s5 =	simm.s32 @p1 $0x1;
	p0 =	seq.s32 s7, s2  }
0x1e: {  	s7 =	smul.u32 @!p0 $0xF7A, s2;
	p2 =	seq.s32 @!p0 s5, $0x0  }
0x1f: {  	s9 =	smul.u32 $0xF7A, s1;
	s8 =	simm.s32 @!p0 $0x1BF5;
	p2 =	por !p2, p0  }
0x20: {  	[sflag:s8] =	ssyncset.s32 @!p0 $0xFFFFF086;
	s6 =	sadd.s32 @!p0 s3, s7;
	s7 =	simm.s32 @!p0 $0x108  }
0x21: {  	s3 =	sadd.s32 s3, s9;
	s6 =	sadd.s32 @!p0 $0x88, s6;
	s7 =	simm.s32 @p2 $0x1082  }
0x22: {  	[simem:s7], [sflag:s8] =	dma.local @!p0 [hbm:s6], $0xF7A  }
0x23: {  	s9 =	sor.u32 $0xD0000000, s2;
	s6 =	simm.s32 $0x108;
	_ =	swait.ge @!p0 [sflag:s8], $0x0  }
0x24: {  	s3 =	sadd.s32 $0x88, s3;
	s6 =	simm.s32 @!p1 $0x1082;
	[sflag:s4] =	ssyncset.s32 $0xFFFFF086  }
0x25: {  	[simem:s6], [sflag:s4] =	dma.local [hbm:s3], $0xF7A  }
0x26: {  	[smem:$0x3F7B] =	sst s1;
	(tag) =	ssettag s2;
	_ =	strace s9  }
0x27: {  	s1 =	sld [smem:$0x3F8B]  }
0x28: {  	s2 =	sld [smem:$0x3F8C]  }
0x29: {  	s4 =	sld [smem:$0x3F8E]  }
0x2a: {  	p0 =	seq.s32 s5, $0x0;
	s5 =	sld [smem:$0x3F8F]  }
0x2b: {  	s6 =	sld [smem:$0x3F90]  }
0x2c: {  	s7 =	sld [smem:$0x3F91]  }
0x2d: {  	s3 =	simm.s32 $0x108;
	s8 =	sld [smem:$0x3F92]  }
0x2e: {  	s3 =	simm.s32 @!p0 $0x1082;
	s9 =	sld [smem:$0x3F93]  }
0x2f: {  	lr =	sadd.s32 s0, s3;
	s0 =	sld [smem:$0x3F8A]  }
0x30: {  	s3 =	sld [smem:$0x3F8D]  }
0x31: {  	[smem:$0x3F96] =	sst s10  }
0x32: {  	s10 =	sld [smem:$0x3F94];
	_ =	sdelay $0x3  }
0x33: {  	p0 =	seq.s32 s10, $0x1;
	s10 =	sld [smem:$0x3F96];
	_ =	sdelay $0x3  }
0x34: {  	[smem:$0x3F96] =	sst s10  }
0x35: {  	s10 =	sld [smem:$0x3F95];
	_ =	sdelay $0x3  }
0x36: {  	p1 =	seq.s32 s10, $0x1;
	s10 =	sld [smem:$0x3F96];
	_ =	sdelay $0x3  }
0x37: {  	[smem:$0x3F96] =	sst s10  }
0x38: {  	s10 =	sld [smem:$0x3F97]  }
0x39: {  	_ = 	snop;
	(pc) =	sbr.ind lr, $3  }
0x3a: {  	_ = 	snop  }
0x3b: {  	_ = 	snop  }
0x3c: {  	p2 =	seq.s32 s10, $0x1;
	s10 =	sld [smem:$0x3F96]  }
0x3d: {  	_ =	shalt  }
0x3e: {  	_ =	shalt  }
0x3f: {  	_ =	shalt  }
0x40: {  	_ =	shalt  }
0x41: {  	_ =	shalt  }
0x42: {  	_ =	shalt  }
0x43: {  	_ =	shalt  }
0x44: {  	_ =	shalt  }
0x45: {  	_ =	shalt  }
0x46: {  	_ =	shalt  }
0x47: {  	_ =	shalt  }
0x48: {  	_ =	shalt  }
0x49: {  	_ =	shalt  }
0x4a: {  	_ =	shalt  }
0x4b: {  	_ =	shalt  }
0x4c: {  	_ =	shalt  }
0x4d: {  	_ =	shalt  }
0x4e: {  	_ =	shalt  }
0x4f: {  	_ =	shalt  }
0x50: {  	_ =	shalt  }
0x51: {  	_ =	shalt  }
0x52: {  	_ =	shalt  }
0x53: {  	_ =	shalt  }
0x54: {  	_ =	shalt  }
0x55: {  	_ =	shalt  }
0x56: {  	_ =	shalt  }
0x57: {  	_ =	shalt  }
0x58: {  	_ =	shalt  }
0x59: {  	_ =	shalt  }
0x5a: {  	_ =	shalt  }
0x5b: {  	_ =	shalt  }
0x5c: {  	_ =	shalt  }
0x5d: {  	_ =	shalt  }
0x5e: {  	_ =	shalt  }
0x5f: {  	_ =	shalt  }
0x60: {  	_ =	shalt  }
0x61: {  	_ =	shalt  }
0x62: {  	_ =	shalt  }
0x63: {  	_ =	shalt  }
0x64: {  	_ =	shalt  }
0x65: {  	_ =	shalt  }
0x66: {  	_ =	shalt  }
0x67: {  	_ =	shalt  }
0x68: {  	_ =	shalt  }
0x69: {  	_ =	shalt  }
0x6a: {  	_ =	shalt  }
0x6b: {  	_ =	shalt  }
0x6c: {  	_ =	shalt  }
0x6d: {  	_ =	shalt  }
0x6e: {  	_ =	shalt  }
0x6f: {  	_ =	shalt  }
0x70: {  	_ =	shalt  }
0x71: {  	_ =	shalt  }
0x72: {  	_ =	shalt  }
0x73: {  	_ =	shalt  }
0x74: {  	_ =	shalt  }
0x75: {  	_ =	shalt  }
0x76: {  	_ =	shalt  }
0x77: {  	_ =	shalt  }
0x78: {  	_ =	shalt  }
0x79: {  	_ =	shalt  }
0x7a: {  	_ =	shalt  }
0x7b: {  	_ =	shalt  }
0x7c: {  	_ =	shalt  }
0x7d: {  	_ =	shalt  }
0x7e: {  	_ =	shalt  }
0x7f: {  	_ =	shalt  }
0x80: {  	_ =	shalt  }
0x81: {  	_ =	shalt  }
0x82: {  	_ =	shalt  }
0x83: {  	_ =	shalt  }
0x84: {  	_ =	shalt  }
0x85: {  	_ =	shalt  }
0x86: {  	_ =	shalt  }
0x87: {  	_ =	shalt  }
.Lfunc_end0:
.L_simem_size_0:
called_computation_lowered:
.L_overlay_start_0:
0x88: {  	s2 =	sld [smem:$0x3FD9]  }
0x89: {  	s3 =	sld [smem:$0x3FFE];
	_ =	sdelay $0x1  }
0x8a: {  	s1 =	srdreg.scid  }
0x8b: {  	s0 =	sand.u32 $0x1, s1  }
0x8c: {  	s16 =	sshll.u32 s0, $0xA;
	s2 =	sadd.s32 s3, s2  }
0x8d: {  	s2 =	sadd.s32 s2, s16  }
0x8e: {  	[smem:$0x3FA2] =	sst s2  }
0x8f: {  	_ = 	snop  }
0x90: {  	(tm) =	ssettm $0x1  }
0x91: {  	s17 =	sld [smem:$0x3FFB];
	_ =	sdelay $0x3  }
0x92: {  	_ =	strace s17  }
0x93: {  	s2 =	sld [smem:$0x3FFC];
	_ =	sdelay $0x3  }
0x94: {  	_ =	strace s2  }
0x95: {  	s2 =	sld [smem:$0x3FFD];
	_ =	sdelay $0x3  }
0x96: {  	_ =	strace s2  }
0x97: {  	_ =	strace $0x8FFFFFFF  }
0x98: {  	s18 =	sld [smem:$0x3FDB];
	_ =	sdelay $0x1  }
0x99: {  	s19 =	simm.s32 $_scs_section_size  }
0x9a: {  	s4 =	simm.s32 $_size__tile_overlayer_lowered;
	s5 =	simm.s32 $_tile_overlayer_lowered  }
0x9b: {  	s22 =	simm.s32 $0x1BFF;
	s21 =	sshll.u32 s5, $0x1;
	s2 =	sadd.s32 s19, s18  }
0x9c: {  	s6 =	simm.s32 $0x0;
	s20 =	sshll.u32 s4, $0x1;
	s4 =	sadd.s32 s21, s2  }
0x9d: {  	[timem:s6], [sflag:s22] =	dma.local [hbm:s4], s20  }
0x9e: {  	_ =	swait.ge [sflag:s22], s20  }
0x9f: {  	s3 =	ssub.s32 $0x0, s20;
	[sflag:s22] =	ssyncset.done $0x0  }
0xa0: {  	[sflag:s22] =	ssyncadd.s32 s3;
	_ =	sdelay $0x1  }
0xa1: {  	s23 =	simm.s32 $0x1B8B  }
0xa2: {  	_ =	swait.ge [sflag:s23], $0x1  }
0xa3: {  	[sflag:s23] =	ssyncset.done $0x0  }
0xa4: {  	s25 =	simm.s32 $0x1B8E;
	s24 =	sld [smem:$0x3FFE];
	[sflag:s23] =	ssyncadd.s32 $0xFFFFFFFF  }
0xa5: {  	s26 =	simm.s32 $execute0_lowered;
	[smem:$0x3FD2] =	sst s25  }
0xa6: {  	s4 =	sshll.u32 s26, $0x1;
	_ =	strace $0x80000046;
	[dreg:$0x1] =	wrdreg $0xFFFFFFFF  }
0xa7: {  	s28 =	simm.s32 $_size_execute0_lowered;
	s2 =	sadd.s32 s2, s4;
	[dreg:$0x0] =	wrdreg $0x0  }
0xa8: {  	s4 =	sshll.u32 s28, $0x1;
	[dreg:$0x2] =	wrdreg s2  }
0xa9: {  	[dreg:$0x3] =	wrdreg s4  }
0xaa: {  	[dreg:$0x4] =	wrdreg $0xC0  }
0xab: {  	_ =	task [dreg:s6], $0x5FFFF  }
0xac: {  	[dreg:$0x1] =	wrdreg $0xFFFFFFFF  }
0xad: {  	[dreg:$0x0] =	wrdreg $0x60  }
0xae: {  	[dreg:$0x2] =	wrdreg s24  }
0xaf: {  	[dreg:$0x3] =	wrdreg $0x9  }
0xb0: {  	_ =	task.clear_ibuf [dreg:s6], $0x4FFFF;
	_ =	strace $0x90000046  }
0xb1: {  	s29 =	simm.s32 $0x9;
	_ =	strace $0x80000048  }
0xb2: {  	_ =	swait.ge [sflag:s29], $0x1  }
0xb3: {  	[sflag:s29] =	ssyncadd.s32 $0xFFFFFFFF  }
0xb4: {  	_ =	strace $0x90000048  }
0xb5: {  	_ =	sfence  }
0xb6: {  	s30 =	sld [smem:$0x0];
	_ =	sdelay $0x2  }
0xb7: {  	s31 =	sshll.u32 s1, $0xD;
	s1 =	sshrl.u32 s1, $0x2  }
0xb8: {  	s3 =	sand.u32 $0x4000, s31;
	s1 =	sadd.s32 s1, s30  }
0xb9: {  	s0 =	sor.u32 s3, s0;
	s1 =	sshll.u32 s1, $0x11  }
0xba: {  	s0 =	sor.u32 s1, s0  }
0xbb: {  	s0 =	sadd.s32 $0x8F2B, s0  }
0xbc: {  	[sflag:s0] =	ssyncadd.remote.s32 $0x1  }
0xbd: {  	_ =	sfence.sel $0xFFFF  }
0xbe: {  	[dreg:$0x0] =	wrdreg $0xFFFFFFFF;
	(pc) =	sbr.abs _section_cstart, $3  }
0xbf: {  	[dreg:$0x1] =	wrdreg $0xFFFFFFFF  }
0xc0: {  	_ =	task.clear_ibuf [dreg:s6], $0x2FFFF;
	_ =	strace $0x9FFFFFFF  }
0xc1: {  	(tm) =	ssettm $0x7FFFFFFF  }
tec
execute0_lowered:
.L_overlay_start_1:
0x0: {  	(tag) =	ssettag $0x1  }
0x1: {  	s4 =	rddreg [dreg:$0x0]  }
0x2: {  	s0 =	rddreg [dreg:$0x1]  }
0x3: {  	s3 =	srdreg.scid;
	s1 =	stileid.u32  }
0x4: {  	s2 =	simm.s32 $0x0;
	s10 =	simm.s32 $0x1;
	s6 =	smul.u32 $0x9C40, s1  }
0x5: {  	s11 =	simm.s32 $0x0;
	s5 =	sand.u32 $0x1, s3;
	s8 =	smul.u32 $0x9C400, s1  }
0x6: {  	[smem:$0x7FF] =	sst s2;
	s3 =	sadd.s32 $0x19600, s4;
	s7 =	smul.u32 $0x4E20, s5  }
0x7: {  	p0 =	sgt.u32 s1, $0x7;
	s30 =	ssub.s32 $0x2, s5;
	s5 =	smul.u32 $0x4E200, s5  }
.Ltmp0:
0x8: {  	_ =	strace $0x80000047;
	s9 =	sshrl.u32 s30, $0x1;
	(pc) =	sbr.rel .LBB2_1-.Ltmp0, $4  }
0x9: {  	s8 =	sadd.s32 s8, s4;
	s6 =	sadd.s32 s7, s6;
	s31 =	ssub.s32 s30, s9  }
0xa: {  	s5 =	sadd.s32 s5, s8;
	s7 =	simm.s32 $0x2;
	s6 =	sshrl.u32 s6, $0x3  }
0xb: {  	s8 =	simm.s32 $0x320;
	s9 =	simm.s32 $0x380;
	s6 =	sadd.s32 s6, s4  }
0xc: {  	s5 =	sadd.s32 $0x67A00, s5;
	s4 =	smax.u32 s31, $0x1;
	s6 =	sadd.s32 $0x5C00, s6  }
.LBB2_7:
0xd: {  	s13 =	sadd.s32 s13, s6;
	[sflag:s7] =	ssyncadd.s32 $0xFFFE7000  }
0xe: {  	[tilespmem:s2], [sflag:$0x2] =	stream.linear.gather [hbm4b:s13+s2], $0x320, $0x38;
	[tilespmem:$0x19380] =	vst v63  }
0xf: {  	_ =	swait.ge [sflag:s7], $0x320  }
0x10: {  	[sflag:s7] =	ssyncset.done $0x0  }
0x11: {  	[sflag:s7] =	ssyncadd.s32 $0xFFFFFCE0  }
0x12: {  	[tilespmem:s9], [sflag:$0x1] =	stream.indirect.gather [hbm4b:s3+s8], $0x80, s2, s8, $0xb8;
	[tilespmem:$0x19380] =	vst v63  }
0x13: {  	_ =	swait.ge [sflag:s10], $0x19000  }
0x14: {  	[sflag:s10] =	ssyncset.done $0x0  }
0x15: {  	[sflag:s10] =	ssyncadd.s32 $0xFFFE7000  }
0x16: {  	[hbm4b:s12+s2] =	stream.linear.scatter [tilespmem:s9], [sflag:$0x2], $0x19000, $0x38;
	[tilespmem:$0x19380] =	vst v63  }
0x17: {  	_ =	swait.ge [sflag:s7], $0x19000  }
0x18: {  	[sflag:s7] =	ssyncset.done $0x0  }
0x19: {  	[sflag:s7] =	ssyncadd.s32 $0xFFFE7000  }
.LBB2_8:
0x1a: {  	s11 =	sadd.s32 $0x1, s11  }
0x1b: {  	p1 =	sne.s32 s11, s4  }
.Ltmp1:
0x1c: {  	_ = 	snop;
	(pc) =	sbr.rel @!p1 .LBB2_9-.Ltmp1, $1  }
0x1d: {  	_ =	sdelay $0x3  }
.LBB2_1:
.Ltmp2:
0x1e: {  	(pc) =	sbr.rel @p0 .LBB2_5-.Ltmp2, $2  }
0x1f: {  	_ =	sdelay $0x2  }
0x20: {  	s12 =	sadd.s32 $0x0, s6  }
0x21: {  	[tilespmem:s2], [sflag:$0x2] =	stream.linear.gather [hbm4b:s12+s2], $0x320, $0x38;
	[tilespmem:$0x19380] =	vst v63  }
0x22: {  	_ =	swait.ge [sflag:s7], $0x320  }
0x23: {  	[sflag:s7] =	ssyncset.done $0x0  }
0x24: {  	[sflag:s7] =	ssyncadd.s32 $0xFFFFFCE0  }
0x25: {  	[tilespmem:s9], [sflag:$0x1] =	stream.indirect.gather [hbm4b:s3+s8], $0x80, s2, s8, $0xb8;
	[tilespmem:$0x19380] =	vst v63  }
0x26: {  	_ =	swait.ge [sflag:s10], $0x19000  }
0x27: {  	[sflag:s10] =	ssyncset.done $0x0  }
0x28: {  	[sflag:s10] =	ssyncadd.s32 $0xFFFE7000  }
0x29: {  	[hbm4b:s5+s2] =	stream.linear.scatter [tilespmem:s9], [sflag:$0x2], $0x19000, $0x38;
	[tilespmem:$0x19380] =	vst v63  }
0x2a: {  	s13 =	simm.s32 $0x64;
	_ =	swait.ge [sflag:s7], $0x19000  }
0x2b: {  	s14 =	simm.s32 $0xC8;
	s12 =	sadd.s32 $0x3200, s5;
	[sflag:s7] =	ssyncset.done $0x0  }
.LBB2_3:
0x2c: {  	s15 =	sadd.s32 s13, s6  }
0x2d: {  	[sflag:s7] =	ssyncadd.s32 $0xFFFE7000;
	s13 =	smov.u32 s14;
	s16 =	sadd.s32 $0x64, s14  }
0x2e: {  	[tilespmem:s2], [sflag:$0x2] =	stream.linear.gather [hbm4b:s15+s2], $0x320, $0x38;
	[tilespmem:$0x19380] =	vst v63  }
0x2f: {  	p1 =	seq.s32 s14, $0x960;
	_ =	swait.ge [sflag:s7], $0x320  }
0x30: {  	[sflag:s7] =	ssyncset.done $0x0  }
0x31: {  	[sflag:s7] =	ssyncadd.s32 $0xFFFFFCE0  }
0x32: {  	[tilespmem:s9], [sflag:$0x1] =	stream.indirect.gather [hbm4b:s3+s8], $0x80, s2, s8, $0xb8;
	[tilespmem:$0x19380] =	vst v63  }
0x33: {  	_ =	swait.ge [sflag:s10], $0x19000  }
.Ltmp3:
0x34: {  	[sflag:s10] =	ssyncset.done $0x0;
	(pc) =	sbr.rel @!p1 .LBB2_3-.Ltmp3, $4  }
0x35: {  	[sflag:s10] =	ssyncadd.s32 $0xFFFE7000  }
0x36: {  	[hbm4b:s12+s2] =	stream.linear.scatter [tilespmem:s9], [sflag:$0x2], $0x19000, $0x38;
	[tilespmem:$0x19380] =	vst v63  }
0x37: {  	_ =	swait.ge [sflag:s7], $0x19000  }
0x38: {  	s14 =	smov.u32 s16;
	s12 =	sadd.s32 $0x3200, s12;
	[sflag:s7] =	ssyncset.done $0x0  }
0x39: {  	s13 =	sadd.s32 s13, s6;
	[sflag:s7] =	ssyncadd.s32 $0xFFFE7000  }
0x3a: {  	[tilespmem:s2], [sflag:$0x2] =	stream.linear.gather [hbm4b:s13+s2], $0x320, $0x38;
	[tilespmem:$0x19380] =	vst v63  }
0x3b: {  	_ =	swait.ge [sflag:s7], $0x320  }
0x3c: {  	[sflag:s7] =	ssyncset.done $0x0  }
0x3d: {  	[sflag:s7] =	ssyncadd.s32 $0xFFFFFCE0  }
0x3e: {  	[tilespmem:s9], [sflag:$0x1] =	stream.indirect.gather [hbm4b:s3+s8], $0x80, s2, s8, $0xb8;
	[tilespmem:$0x19380] =	vst v63  }
0x3f: {  	_ =	swait.ge [sflag:s10], $0x19000  }
0x40: {  	[sflag:s10] =	ssyncset.done $0x0  }
.Ltmp4:
0x41: {  	[sflag:s10] =	ssyncadd.s32 $0xFFFE7000;
	(pc) =	sbr.rel .LBB2_8-.Ltmp4, $4  }
0x42: {  	[hbm4b:s12+s2] =	stream.linear.scatter [tilespmem:s9], [sflag:$0x2], $0x19000, $0x38;
	[tilespmem:$0x19380] =	vst v63  }
0x43: {  	_ =	swait.ge [sflag:s7], $0x19000  }
0x44: {  	[sflag:s7] =	ssyncset.done $0x0  }
0x45: {  	[sflag:s7] =	ssyncadd.s32 $0xFFFE7000  }
.LBB2_5:
0x46: {  	[tilespmem:s2], [sflag:$0x2] =	stream.linear.gather [hbm4b:s12+s2], $0x320, $0x38;
	[tilespmem:$0x19380] =	vst v63  }
0x47: {  	_ =	swait.ge [sflag:s7], $0x320  }
0x48: {  	[sflag:s7] =	ssyncset.done $0x0  }
0x49: {  	[sflag:s7] =	ssyncadd.s32 $0xFFFFFCE0  }
0x4a: {  	[tilespmem:s9], [sflag:$0x1] =	stream.indirect.gather [hbm4b:s3+s8], $0x80, s2, s8, $0xb8;
	[tilespmem:$0x19380] =	vst v63  }
0x4b: {  	_ =	swait.ge [sflag:s10], $0x19000  }
0x4c: {  	[sflag:s10] =	ssyncset.done $0x0  }
0x4d: {  	[sflag:s10] =	ssyncadd.s32 $0xFFFE7000  }
0x4e: {  	[hbm4b:s5+s2] =	stream.linear.scatter [tilespmem:s9], [sflag:$0x2], $0x19000, $0x38;
	[tilespmem:$0x19380] =	vst v63  }
0x4f: {  	s13 =	simm.s32 $0x64;
	_ =	swait.ge [sflag:s7], $0x19000  }
0x50: {  	s14 =	simm.s32 $0xC8;
	s12 =	sadd.s32 $0x3200, s5;
	[sflag:s7] =	ssyncset.done $0x0  }
.LBB2_6:
0x51: {  	s15 =	sadd.s32 s13, s6  }
0x52: {  	[sflag:s7] =	ssyncadd.s32 $0xFFFE7000;
	s13 =	smov.u32 s14;
	s16 =	sadd.s32 $0x64, s14  }
0x53: {  	[tilespmem:s2], [sflag:$0x2] =	stream.linear.gather [hbm4b:s15+s2], $0x320, $0x38;
	[tilespmem:$0x19380] =	vst v63  }
0x54: {  	p1 =	sne.s32 s14, $0x960;
	_ =	swait.ge [sflag:s7], $0x320  }
0x55: {  	[sflag:s7] =	ssyncset.done $0x0  }
0x56: {  	[sflag:s7] =	ssyncadd.s32 $0xFFFFFCE0  }
0x57: {  	[tilespmem:s9], [sflag:$0x1] =	stream.indirect.gather [hbm4b:s3+s8], $0x80, s2, s8, $0xb8;
	[tilespmem:$0x19380] =	vst v63  }
0x58: {  	_ =	swait.ge [sflag:s10], $0x19000  }
.Ltmp5:
0x59: {  	[sflag:s10] =	ssyncset.done $0x0;
	(pc) =	sbr.rel @p1 .LBB2_6-.Ltmp5, $4  }
0x5a: {  	[sflag:s10] =	ssyncadd.s32 $0xFFFE7000  }
0x5b: {  	[hbm4b:s12+s2] =	stream.linear.scatter [tilespmem:s9], [sflag:$0x2], $0x19000, $0x38;
	[tilespmem:$0x19380] =	vst v63  }
0x5c: {  	_ =	swait.ge [sflag:s7], $0x19000  }
0x5d: {  	s14 =	smov.u32 s16;
	s12 =	sadd.s32 $0x3200, s12;
	[sflag:s7] =	ssyncset.done $0x0  }
.Ltmp6:
0x5e: {  	_ = 	snop;
	(pc) =	sbr.rel .LBB2_7-.Ltmp6, $1  }
0x5f: {  	_ =	sdelay $0x3  }
.LBB2_9:
0x60: {  	_ =	sfence.sel $0x180000  }
0x61: {  	[bflag:$0x0] =	sbarrier.arrive $0xFFFF  }
0x62: {  	p0 =	sne.s32 s1, $0x0;
	_ =	strace $0x90000047  }
0x63: {  	s0 =	sadd.s32 @!p0 $0x100000, s0;
	[bflag:$0x2] =	sbarrier.arrive $0xFFFF  }
0x64: {  	[sflag:s0] =	ssyncadd.tile.s32 @!p0 $0x1;
	_ =	shalt  }
.Lfunc_end2:
_tile_overlayer_lowered:
.L_overlay_start_2:
0x65: {  	(tag) =	ssettag $0x2  }
0x66: {  	s0 =	rddreg [dreg:$0x0];
	s2 =	stileid.u32  }
0x67: {  	s1 =	rddreg [dreg:$0x1];
	p0 =	sne.s32 s2, $0x0  }
0x68: {  	s3 =	rddreg [dreg:$0x2];
	[bflag:$0x3] =	sbarrier.arrive $0xFFFF;
	s2 =	simm.s32 @!p0 $0x1C02  }
0x69: {  	[timem:s3], [sflag:s2] =	dma.local @!p0 [hbm:s0], s1  }
0x6a: {  	s0 =	simm.s32 @!p0 $0x2  }
0x6b: {  	_ =	swait.ge @!p0 [sflag:s0], s1  }
0x6c: {  	s1 =	ssub.s32 @!p0 $0x0, s1;
	[sflag:s0] =	ssyncset.done @!p0 $0x0  }
0x6d: {  	[sflag:s0] =	ssyncadd.s32 @!p0 s1  }
0x6e: {  	[bflag:$0x3] =	sbarrier.arrive $0xFFFF  }
0x6f: {  	_ =	shalt  }

// kernel: kernel.13.cloned.1.call-start
scs
__scs_entry_jumppad:
0x0: {  	(pc) =	sbr.rel $0x88, $3  }
0x1: {  	(tag) =	ssettag $0x0;
	lr =	simm.s32 $0x1  }
0x2: {  	[smem:$0x3F7B] =	sst lr;
	_ =	strace $0xD0000000  }
0x3: {  	_ = 	snop  }
0x4: {  	_ = 	snop  }
0x5: {  	_ = 	snop  }
0x6: {  	_ = 	snop  }
0x7: {  	_ = 	snop  }
__scs_overlays_trampoline_lowered:
0x8: {  	[smem:$0x3F8A] =	sst s0  }
0x9: {  	[smem:$0x3F8B] =	sst s1  }
0xa: {  	[smem:$0x3F8C] =	sst s2  }
0xb: {  	[smem:$0x3F8D] =	sst s3  }
0xc: {  	[smem:$0x3F8E] =	sst s4  }
0xd: {  	[smem:$0x3F8F] =	sst s5  }
0xe: {  	[smem:$0x3F90] =	sst s6  }
0xf: {  	[smem:$0x3F91] =	sst s7  }
0x10: {  	[smem:$0x3F92] =	sst s8  }
0x11: {  	[smem:$0x3F93] =	sst s9;
	s0 =	simm.s32 @!p0 $0x0  }
0x12: {  	s1 =	sld [smem:$0x3F79];
	s0 =	simm.s32 @p0 $0x1  }
0x13: {  	[smem:$0x3F94] =	sst s0;
	s0 =	simm.s32 @!p1 $0x0  }
0x14: {  	s2 =	sld [smem:$0x3F78];
	s0 =	simm.s32 @p1 $0x1  }
0x15: {  	[smem:$0x3F95] =	sst s0;
	s0 =	simm.s32 @!p2 $0x0  }
0x16: {  	s3 =	sld [smem:$0x3FDB];
	s0 =	simm.s32 @p2 $0x1  }
0x17: {  	s4 =	simm.s32 $0x1BF5;
	[smem:$0x3F97] =	sst s0  }
0x18: {  	s0 =	sld [smem:$0x3F7A];
	_ =	swait.ge [sflag:s4], $0x0  }
0x19: {  	s7 =	sld [smem:$0x3F7B]  }
0x1a: {  	s8 =	sadd.s32 $0xFFFFE003, lr  }
0x1b: {  	s9 =	sadd.s32 $0xFFFFFEF7, lr;
	s5 =	simm.s32 $0xFFFFFFFF;
	p2 =	slt.u32 s8, $0xFFFFF086  }
0x1c: {  	p1 =	slt.u32 s9, $0xF7A;
	s5 =	simm.s32 @!p2 $0x0  }
0x1d: {  	s5 =	simm.s32 @p1 $0x1;
	p0 =	seq.s32 s7, s2  }
0x1e: {  	s7 =	smul.u32 @!p0 $0xF7A, s2;
	p2 =	seq.s32 @!p0 s5, $0x0  }
0x1f: {  	s9 =	smul.u32 $0xF7A, s1;
	s8 =	simm.s32 @!p0 $0x1BF5;
	p2 =	por !p2, p0  }
0x20: {  	[sflag:s8] =	ssyncset.s32 @!p0 $0xFFFFF086;
	s6 =	sadd.s32 @!p0 s3, s7;
	s7 =	simm.s32 @!p0 $0x108  }
0x21: {  	s3 =	sadd.s32 s3, s9;
	s6 =	sadd.s32 @!p0 $0x88, s6;
	s7 =	simm.s32 @p2 $0x1082  }
0x22: {  	[simem:s7], [sflag:s8] =	dma.local @!p0 [hbm:s6], $0xF7A  }
0x23: {  	s9 =	sor.u32 $0xD0000000, s2;
	s6 =	simm.s32 $0x108;
	_ =	swait.ge @!p0 [sflag:s8], $0x0  }
0x24: {  	s3 =	sadd.s32 $0x88, s3;
	s6 =	simm.s32 @!p1 $0x1082;
	[sflag:s4] =	ssyncset.s32 $0xFFFFF086  }
0x25: {  	[simem:s6], [sflag:s4] =	dma.local [hbm:s3], $0xF7A  }
0x26: {  	[smem:$0x3F7B] =	sst s1;
	(tag) =	ssettag s2;
	_ =	strace s9  }
0x27: {  	s1 =	sld [smem:$0x3F8B]  }
0x28: {  	s2 =	sld [smem:$0x3F8C]  }
0x29: {  	s4 =	sld [smem:$0x3F8E]  }
0x2a: {  	p0 =	seq.s32 s5, $0x0;
	s5 =	sld [smem:$0x3F8F]  }
0x2b: {  	s6 =	sld [smem:$0x3F90]  }
0x2c: {  	s7 =	sld [smem:$0x3F91]  }
0x2d: {  	s3 =	simm.s32 $0x108;
	s8 =	sld [smem:$0x3F92]  }
0x2e: {  	s3 =	simm.s32 @!p0 $0x1082;
	s9 =	sld [smem:$0x3F93]  }
0x2f: {  	lr =	sadd.s32 s0, s3;
	s0 =	sld [smem:$0x3F8A]  }
0x30: {  	s3 =	sld [smem:$0x3F8D]  }
0x31: {  	[smem:$0x3F96] =	sst s10  }
0x32: {  	s10 =	sld [smem:$0x3F94];
	_ =	sdelay $0x3  }
0x33: {  	p0 =	seq.s32 s10, $0x1;
	s10 =	sld [smem:$0x3F96];
	_ =	sdelay $0x3  }
0x34: {  	[smem:$0x3F96] =	sst s10  }
0x35: {  	s10 =	sld [smem:$0x3F95];
	_ =	sdelay $0x3  }
0x36: {  	p1 =	seq.s32 s10, $0x1;
	s10 =	sld [smem:$0x3F96];
	_ =	sdelay $0x3  }
0x37: {  	[smem:$0x3F96] =	sst s10  }
0x38: {  	s10 =	sld [smem:$0x3F97]  }
0x39: {  	_ = 	snop;
	(pc) =	sbr.ind lr, $3  }
0x3a: {  	_ = 	snop  }
0x3b: {  	_ = 	snop  }
0x3c: {  	p2 =	seq.s32 s10, $0x1;
	s10 =	sld [smem:$0x3F96]  }
0x3d: {  	_ =	shalt  }
0x3e: {  	_ =	shalt  }
0x3f: {  	_ =	shalt  }
0x40: {  	_ =	shalt  }
0x41: {  	_ =	shalt  }
0x42: {  	_ =	shalt  }
0x43: {  	_ =	shalt  }
0x44: {  	_ =	shalt  }
0x45: {  	_ =	shalt  }
0x46: {  	_ =	shalt  }
0x47: {  	_ =	shalt  }
0x48: {  	_ =	shalt  }
0x49: {  	_ =	shalt  }
0x4a: {  	_ =	shalt  }
0x4b: {  	_ =	shalt  }
0x4c: {  	_ =	shalt  }
0x4d: {  	_ =	shalt  }
0x4e: {  	_ =	shalt  }
0x4f: {  	_ =	shalt  }
0x50: {  	_ =	shalt  }
0x51: {  	_ =	shalt  }
0x52: {  	_ =	shalt  }
0x53: {  	_ =	shalt  }
0x54: {  	_ =	shalt  }
0x55: {  	_ =	shalt  }
0x56: {  	_ =	shalt  }
0x57: {  	_ =	shalt  }
0x58: {  	_ =	shalt  }
0x59: {  	_ =	shalt  }
0x5a: {  	_ =	shalt  }
0x5b: {  	_ =	shalt  }
0x5c: {  	_ =	shalt  }
0x5d: {  	_ =	shalt  }
0x5e: {  	_ =	shalt  }
0x5f: {  	_ =	shalt  }
0x60: {  	_ =	shalt  }
0x61: {  	_ =	shalt  }
0x62: {  	_ =	shalt  }
0x63: {  	_ =	shalt  }
0x64: {  	_ =	shalt  }
0x65: {  	_ =	shalt  }
0x66: {  	_ =	shalt  }
0x67: {  	_ =	shalt  }
0x68: {  	_ =	shalt  }
0x69: {  	_ =	shalt  }
0x6a: {  	_ =	shalt  }
0x6b: {  	_ =	shalt  }
0x6c: {  	_ =	shalt  }
0x6d: {  	_ =	shalt  }
0x6e: {  	_ =	shalt  }
0x6f: {  	_ =	shalt  }
0x70: {  	_ =	shalt  }
0x71: {  	_ =	shalt  }
0x72: {  	_ =	shalt  }
0x73: {  	_ =	shalt  }
0x74: {  	_ =	shalt  }
0x75: {  	_ =	shalt  }
0x76: {  	_ =	shalt  }
0x77: {  	_ =	shalt  }
0x78: {  	_ =	shalt  }
0x79: {  	_ =	shalt  }
0x7a: {  	_ =	shalt  }
0x7b: {  	_ =	shalt  }
0x7c: {  	_ =	shalt  }
0x7d: {  	_ =	shalt  }
0x7e: {  	_ =	shalt  }
0x7f: {  	_ =	shalt  }
0x80: {  	_ =	shalt  }
0x81: {  	_ =	shalt  }
0x82: {  	_ =	shalt  }
0x83: {  	_ =	shalt  }
0x84: {  	_ =	shalt  }
0x85: {  	_ =	shalt  }
0x86: {  	_ =	shalt  }
0x87: {  	_ =	shalt  }
.Lfunc_end0:
.L_simem_size_0:
called_computation.1_lowered:
.L_overlay_start_0:
0x88: {  	s2 =	sld [smem:$0x3FD9]  }
0x89: {  	s3 =	sld [smem:$0x3FFE];
	_ =	sdelay $0x1  }
0x8a: {  	s1 =	srdreg.scid  }
0x8b: {  	s0 =	sand.u32 $0x1, s1  }
0x8c: {  	s16 =	sshll.u32 s0, $0xA;
	s2 =	sadd.s32 s3, s2  }
0x8d: {  	s2 =	sadd.s32 s2, s16  }
0x8e: {  	[smem:$0x3FA2] =	sst s2  }
0x8f: {  	_ = 	snop  }
0x90: {  	(tm) =	ssettm $0x1  }
0x91: {  	s17 =	sld [smem:$0x3FFB];
	_ =	sdelay $0x3  }
0x92: {  	_ =	strace s17  }
0x93: {  	s2 =	sld [smem:$0x3FFC];
	_ =	sdelay $0x3  }
0x94: {  	_ =	strace s2  }
0x95: {  	s2 =	sld [smem:$0x3FFD];
	_ =	sdelay $0x3  }
0x96: {  	_ =	strace s2  }
0x97: {  	_ =	strace $0x8FFFFFFF  }
0x98: {  	s18 =	sld [smem:$0x3FDB];
	_ =	sdelay $0x1  }
0x99: {  	s19 =	simm.s32 $_scs_section_size  }
0x9a: {  	s4 =	simm.s32 $_size__tile_overlayer_lowered;
	s5 =	simm.s32 $_tile_overlayer_lowered  }
0x9b: {  	s22 =	simm.s32 $0x1BFF;
	s21 =	sshll.u32 s5, $0x1;
	s2 =	sadd.s32 s19, s18  }
0x9c: {  	s6 =	simm.s32 $0x0;
	s20 =	sshll.u32 s4, $0x1;
	s4 =	sadd.s32 s21, s2  }
0x9d: {  	[timem:s6], [sflag:s22] =	dma.local [hbm:s4], s20  }
0x9e: {  	_ =	swait.ge [sflag:s22], s20  }
0x9f: {  	s3 =	ssub.s32 $0x0, s20;
	[sflag:s22] =	ssyncset.done $0x0  }
0xa0: {  	[sflag:s22] =	ssyncadd.s32 s3;
	_ =	sdelay $0x1  }
0xa1: {  	s23 =	simm.s32 $0x1B8B  }
0xa2: {  	_ =	swait.ge [sflag:s23], $0x1  }
0xa3: {  	[sflag:s23] =	ssyncset.done $0x0  }
0xa4: {  	s25 =	simm.s32 $0x1B8E;
	s24 =	sld [smem:$0x3FFE];
	[sflag:s23] =	ssyncadd.s32 $0xFFFFFFFF  }
0xa5: {  	s26 =	simm.s32 $execute0_lowered;
	[smem:$0x3FD2] =	sst s25  }
0xa6: {  	s4 =	sshll.u32 s26, $0x1;
	_ =	strace $0x80000049;
	[dreg:$0x1] =	wrdreg $0xFFFFFFFF  }
0xa7: {  	s28 =	simm.s32 $_size_execute0_lowered;
	s2 =	sadd.s32 s2, s4;
	[dreg:$0x0] =	wrdreg $0x0  }
0xa8: {  	s4 =	sshll.u32 s28, $0x1;
	[dreg:$0x2] =	wrdreg s2  }
0xa9: {  	[dreg:$0x3] =	wrdreg s4  }
0xaa: {  	[dreg:$0x4] =	wrdreg $0xC0  }
0xab: {  	_ =	task [dreg:s6], $0x5FFFF  }
0xac: {  	[dreg:$0x1] =	wrdreg $0xFFFFFFFF  }
0xad: {  	[dreg:$0x0] =	wrdreg $0x60  }
0xae: {  	[dreg:$0x2] =	wrdreg s24  }
0xaf: {  	[dreg:$0x3] =	wrdreg $0x9  }
0xb0: {  	_ =	task.clear_ibuf [dreg:s6], $0x4FFFF;
	_ =	strace $0x90000049  }
0xb1: {  	s29 =	simm.s32 $0x9;
	_ =	strace $0x8000004B  }
0xb2: {  	_ =	swait.ge [sflag:s29], $0x1  }
0xb3: {  	[sflag:s29] =	ssyncadd.s32 $0xFFFFFFFF  }
0xb4: {  	_ =	strace $0x9000004B  }
0xb5: {  	_ =	sfence  }
0xb6: {  	s30 =	sld [smem:$0x0];
	_ =	sdelay $0x2  }
0xb7: {  	s31 =	sshll.u32 s1, $0xD;
	s1 =	sshrl.u32 s1, $0x2  }
0xb8: {  	s3 =	sand.u32 $0x4000, s31;
	s1 =	sadd.s32 s1, s30  }
0xb9: {  	s0 =	sor.u32 s3, s0;
	s1 =	sshll.u32 s1, $0x11  }
0xba: {  	s0 =	sor.u32 s1, s0  }
0xbb: {  	s0 =	sadd.s32 $0x8F2B, s0  }
0xbc: {  	[sflag:s0] =	ssyncadd.remote.s32 $0x1  }
0xbd: {  	_ =	sfence.sel $0xFFFF  }
0xbe: {  	[dreg:$0x0] =	wrdreg $0xFFFFFFFF;
	(pc) =	sbr.abs _section_cstart, $3  }
0xbf: {  	[dreg:$0x1] =	wrdreg $0xFFFFFFFF  }
0xc0: {  	_ =	task.clear_ibuf [dreg:s6], $0x2FFFF;
	_ =	strace $0x9FFFFFFF  }
0xc1: {  	(tm) =	ssettm $0x7FFFFFFF  }
tec
execute0_lowered:
.L_overlay_start_1:
0x0: {  	(tag) =	ssettag $0x1  }
0x1: {  	s0 =	stileid.u32;
	s1 =	srdreg.scid  }
0x2: {  	s4 =	rddreg [dreg:$0x0];
	s11 =	simm.s32 $0x2D00;
	s12 =	simm.s32 $0x0  }
0x3: {  	s2 =	sshll.u32 s0, $0x1;
	s3 =	sand.u32 $0x1, s1;
	s1 =	rddreg [dreg:$0x1]  }
0x4: {  	s9 =	sshrl.u32 s0, $0x2;
	s30 =	sand.u32 $0x6, s2;
	s2 =	simm.s32 $0x0  }
0x5: {  	s31 =	ssub.s32 $0x2, s3;
	s10 =	sshll.u32 s9, $0x3;
	s7 =	sor.u32 s3, s30  }
0x6: {  	[smem:$0x7FF] =	sst s2;
	s3 =	sadd.s32 $0xA2BA00, s4;
	s8 =	sshrl.u32 s31, $0x1  }
0x7: {  	s5 =	smul.u32 $0x9C400, s7;
	_ =	strace $0x8000004A;
	s7 =	sor.u32 s10, s7  }
0x8: {  	s8 =	ssub.s32 s31, s8;
	s10 =	simm.s32 $0x500;
	s7 =	smul.u32 $0x14000, s7  }
0x9: {  	s8 =	smax.u32 s8, $0x1;
	s6 =	sadd.s32 s5, s4;
	s4 =	sadd.s32 $0x67A00, s4  }
0xa: {  	v0 =	vimm.f32 $0.0e+00;
	s5 =	smul.u32 $0x27100, s9;
	s9 =	simm.s32 $0x1;
	s6 =	sadd.s32 $0xA3F400, s6  }
.LBB2_1:
0xb: {  	s13 =	simm.s32 $0x40;
	s14 =	simm.s32 $0x0  }
.LBB2_2:
0xc: {  	p0 =	sne.s32 s13, $0x4FFC0;
	[tilespmem:s14+$0x2D00] =	vst v0;
	s14 =	smov.u32 s13;
	s13 =	sadd.s32 $0x40, s13  }
.Ltmp0:
0xd: {  	(pc) =	sbr.rel @p0 .LBB2_2-.Ltmp0, $2  }
0xe: {  	_ =	sdelay $0x2  }
0xf: {  	s14 =	sshra.s32 s14, $0x2  }
0x10: {  	[tilespmem:s14+$0x2D00] =	vst v0;
	s13 =	simm.s32 $0x0;
	s14 =	simm.s32 $0x0  }
.LBB2_4:
0x11: {  	s15 =	smul.u32 $0x500, s14;
	_ =	sdelay $0x1  }
0x12: {  	s15 =	sadd.s32 s5, s15  }
0x13: {  	s16 =	sshrl.u32 s15, $0x3  }
0x14: {  	s16 =	sadd.s32 s3, s16  }
0x15: {  	[tilespmem:s13], [sflag:$0x1] =	stream.linear.gather [hbm4b:s16+s13], $0x500, $0x38;
	[tilespmem:$0x16D00] =	vst v63  }
0x16: {  	_ =	swait.ge [sflag:s9], $0x500  }
0x17: {  	[sflag:s9] =	ssyncset.done $0x0  }
0x18: {  	s15 =	sadd.s32 s15, s6;
	[sflag:s9] =	ssyncadd.s32 $0xFFFFFB00  }
0x19: {  	[tilespmem:s10], [sflag:$0x1] =	stream.linear.gather [hbm4b:s15+s13], $0x2800, $0x38;
	[tilespmem:$0x16D00] =	vst v63  }
0x1a: {  	_ =	swait.ge [sflag:s9], $0x2800  }
0x1b: {  	[sflag:s9] =	ssyncset.done $0x0  }
0x1c: {  	[sflag:s9] =	ssyncadd.s32 $0xFFFFD800  }
0x1d: {  	v2 =	vld [tilespmem:s13+$0x0]  }
0x1e: {  	s28 =	sand.u32 $0x70, s13;
	s29 =	sand.u32 $0x3C00, s13  }
0x1f: {  	s15 =	sor.u32 s28, s29  }
0x20: {  	v1 =	vld [tilespmem:s15+$0x500];
	_ =	sdelay $0x4  }
0x21: {  	[tilespmem:v2+s11+$0x0] =	vst.idx.add.f32.msk $0xffff, v1  }
0x22: {  	v3 =	vadd.s32 $0x2800, v2;
	v1 =	vld [tilespmem:s15+$0x580];
	_ =	sdelay $0x4  }
0x23: {  	[tilespmem:v3+s11+$0x0] =	vst.idx.add.f32.msk $0xffff, v1  }
0x24: {  	v3 =	vadd.s32 $0x5000, v2;
	v1 =	vld [tilespmem:s15+$0x600];
	_ =	sdelay $0x4  }
0x25: {  	[tilespmem:v3+s11+$0x0] =	vst.idx.add.f32.msk $0xffff, v1  }
0x26: {  	v3 =	vadd.s32 $0x7800, v2;
	v1 =	vld [tilespmem:s15+$0x680];
	_ =	sdelay $0x4  }
0x27: {  	[tilespmem:v3+s11+$0x0] =	vst.idx.add.f32.msk $0xffff, v1  }
0x28: {  	v3 =	vadd.s32 $0xA000, v2;
	v1 =	vld [tilespmem:s15+$0x700];
	_ =	sdelay $0x4  }
0x29: {  	[tilespmem:v3+s11+$0x0] =	vst.idx.add.f32.msk $0xffff, v1  }
0x2a: {  	v3 =	vadd.s32 $0xC800, v2;
	v1 =	vld [tilespmem:s15+$0x780];
	_ =	sdelay $0x4  }
0x2b: {  	[tilespmem:v3+s11+$0x0] =	vst.idx.add.f32.msk $0xffff, v1  }
0x2c: {  	v3 =	vadd.s32 $0xF000, v2;
	v1 =	vld [tilespmem:s15+$0x800];
	_ =	sdelay $0x1  }
0x2d: {  	s30 =	sand.u32 $0x7, s13  }
0x2e: {  	s15 =	sshll.u32 s30, $0x4  }
0x2f: {  	s31 =	sadd.s32 $0x0, s15  }
0x30: {  	s17 =	simm.s32 $0x0;
	s16 =	sor.u32 $0x380, s31;
	[tilespmem:v3+s11+$0x0] =	vst.idx.add.f32.msk $0xffff, v1  }
0x31: {  	s18 =	simm.s32 $0x0;
	v2 =	vadd.s32 $0x11800, v2;
	s15 =	simm.s32 $0x10;
	v1 =	vld [tilespmem:s16+$0x500];
	s16 =	simm.s32 $0x0  }
.LBB2_5:
0x32: {  	_ =	sdelay $0x3  }
0x33: {  	s16 =	sadd.s32 $0x80, s16;
	s17 =	sadd.s32 $0x1, s17;
	s18 =	sadd.s32 $0x10, s18;
	[tilespmem:v2+s11+$0x0] =	vst.idx.add.f32.msk $0xffff, v1  }
0x34: {  	p0 =	sne.s32 s15, $0x4F0;
	s19 =	smov.u32 s15;
	s15 =	sadd.s32 $0x10, s15;
	v2 =	vld [tilespmem:s18+$0x0]  }
0x35: {  	s19 =	sand.u32 $0x70, s19;
	s20 =	sand.u32 $0x3C00, s16  }
0x36: {  	s19 =	sor.u32 s19, s20  }
0x37: {  	v1 =	vld [tilespmem:s19+$0x500];
	_ =	sdelay $0x4  }
0x38: {  	[tilespmem:v2+s11+$0x0] =	vst.idx.add.f32.msk $0xffff, v1  }
0x39: {  	v3 =	vadd.s32 $0x2800, v2;
	v1 =	vld [tilespmem:s19+$0x580];
	_ =	sdelay $0x4  }
0x3a: {  	[tilespmem:v3+s11+$0x0] =	vst.idx.add.f32.msk $0xffff, v1  }
0x3b: {  	v3 =	vadd.s32 $0x5000, v2;
	v1 =	vld [tilespmem:s19+$0x600];
	_ =	sdelay $0x4  }
0x3c: {  	[tilespmem:v3+s11+$0x0] =	vst.idx.add.f32.msk $0xffff, v1  }
0x3d: {  	v3 =	vadd.s32 $0x7800, v2;
	v1 =	vld [tilespmem:s19+$0x680];
	_ =	sdelay $0x4  }
0x3e: {  	[tilespmem:v3+s11+$0x0] =	vst.idx.add.f32.msk $0xffff, v1  }
0x3f: {  	v3 =	vadd.s32 $0xA000, v2;
	v1 =	vld [tilespmem:s19+$0x700];
	_ =	sdelay $0x4  }
0x40: {  	[tilespmem:v3+s11+$0x0] =	vst.idx.add.f32.msk $0xffff, v1  }
0x41: {  	v3 =	vadd.s32 $0xC800, v2;
	v1 =	vld [tilespmem:s19+$0x780];
	_ =	sdelay $0x4  }
0x42: {  	[tilespmem:v3+s11+$0x0] =	vst.idx.add.f32.msk $0xffff, v1  }
0x43: {  	v3 =	vadd.s32 $0xF000, v2;
	v1 =	vld [tilespmem:s19+$0x800];
	_ =	sdelay $0x1  }
.Ltmp1:
0x44: {  	s19 =	sand.u32 $0x7, s17;
	(pc) =	sbr.rel @p0 .LBB2_5-.Ltmp1, $4  }
0x45: {  	s19 =	sshll.u32 s19, $0x4  }
0x46: {  	s19 =	sadd.s32 s19, s16  }
0x47: {  	s19 =	sor.u32 $0x380, s19;
	[tilespmem:v3+s11+$0x0] =	vst.idx.add.f32.msk $0xffff, v1  }
0x48: {  	v2 =	vadd.s32 $0x11800, v2;
	v1 =	vld [tilespmem:s19+$0x500]  }
0x49: {  	s14 =	sadd.s32 $0x1, s14  }
0x4a: {  	p0 =	sne.s32 s14, $0x7D  }
.Ltmp2:
0x4b: {  	_ = 	snop;
	(pc) =	sbr.rel @p0 .LBB2_4-.Ltmp2, $2  }
0x4c: {  	_ =	sdelay $0x2  }
0x4d: {  	s15 =	simm.s32 $0x0;
	[tilespmem:v2+s11+$0x0] =	vst.idx.add.f32.msk $0xffff, v1  }
0x4e: {  	s13 =	simm.s32 $0x0  }
.LBB2_8:
0x4f: {  	s16 =	smul.u32 $0x500, s13;
	s22 =	sand.u32 $0x7, s15  }
0x50: {  	s14 =	smul.u32 $0x2800, s22  }
0x51: {  	s17 =	simm.s32 $0x1  }
0x52: {  	s20 =	simm.s32 $0x0;
	s19 =	simm.s32 $0x0;
	s14 =	sadd.s32 s16, s14  }
0x53: {  	s24 =	sand.u32 $0x78, s20;
	s18 =	sadd.s32 $0x0, s14;
	s14 =	sand.u32 $0x7, s17  }
0x54: {  	s17 =	sand.u32 $0x70, s19;
	s18 =	sand.u32 $0x7FF80, s18;
	s21 =	smul.u32 $0x2800, s14  }
0x55: {  	s20 =	simm.s32 $0x0;
	s22 =	sor.u32 s22, s24;
	s23 =	sor.u32 s17, s18  }
0x56: {  	s19 =	simm.s32 $0x2;
	s18 =	simm.s32 $0x0;
	v1 =	vld [tilespmem:s23+$0x2D00];
	s21 =	sadd.s32 s16, s21  }
.LBB2_9:
0x57: {  	s21 =	sadd.s32 s20, s21  }
0x58: {  	s22 =	sshll.u32 s22, $0x7;
	s23 =	smov.u32 s14;
	s14 =	sand.u32 $0x7, s19  }
0x59: {  	s24 =	smov.u32 s19;
	p0 =	sne.s32 s19, $0x27F;
	s21 =	sand.u32 $0x7FF80, s21  }
.Ltmp3:
0x5a: {  	s22 =	sor.u32 s17, s22;
	s17 =	sand.u32 $0x70, s20;
	(pc) =	sbr.rel @p0 .LBB2_9-.Ltmp3, $4  }
0x5b: {  	s19 =	sadd.s32 $0x1, s19;
	s20 =	sor.u32 s17, s21;
	[tilespmem:s22+$0x500] =	vst v1  }
0x5c: {  	s21 =	smul.u32 $0x2800, s14;
	v1 =	vld [tilespmem:s20+$0x2D00]  }
0x5d: {  	s22 =	sand.u32 $0x78, s18;
	s18 =	sshrl.u32 s24, $0x3  }
0x5e: {  	s20 =	sshll.u32 s18, $0x4;
	s22 =	sor.u32 s23, s22;
	s21 =	sadd.s32 s16, s21  }
0x5f: {  	s16 =	sadd.s32 s20, s21;
	s19 =	sshll.u32 s22, $0x7  }
0x60: {  	s26 =	sand.u32 $0x70, s20;
	s16 =	sand.u32 $0x7FF80, s16;
	s17 =	sor.u32 s17, s19  }
0x61: {  	s16 =	sor.u32 s26, s16;
	[tilespmem:s17+$0x500] =	vst v1  }
0x62: {  	v1 =	vld [tilespmem:s16+$0x2D00]  }
0x63: {  	s28 =	sand.u32 $0x78, s18;
	s29 =	smul.u32 $0x2800, s13  }
0x64: {  	s14 =	sor.u32 s14, s28  }
0x65: {  	s13 =	sadd.s32 $0x1, s13;
	s14 =	sshll.u32 s14, $0x7;
	s30 =	sadd.s32 s7, s29  }
0x66: {  	p0 =	sne.s32 s13, $0x8;
	s14 =	sor.u32 s26, s14;
	s16 =	sshrl.u32 s30, $0x3  }
.Ltmp4:
0x67: {  	s31 =	sadd.s32 s4, s16;
	[tilespmem:s14+$0x500] =	vst v1;
	(pc) =	sbr.rel @p0 .LBB2_8-.Ltmp4, $4  }
0x68: {  	[hbm4b:s31+s2] =	stream.linear.scatter [tilespmem:s10], [sflag:$0x1], $0x2800, $0x38;
	[tilespmem:$0x16D00] =	vst v63  }
0x69: {  	_ =	swait.ge [sflag:s9], $0x2800  }
0x6a: {  	[sflag:s9] =	ssyncset.done $0x0  }
0x6b: {  	[sflag:s9] =	ssyncadd.s32 $0xFFFFD800  }
0x6c: {  	s12 =	sadd.s32 $0x1, s12  }
0x6d: {  	p0 =	sne.s32 s12, s8  }
.Ltmp5:
0x6e: {  	_ = 	snop;
	(pc) =	sbr.rel @p0 .LBB2_1-.Ltmp5, $1  }
0x6f: {  	_ =	sdelay $0x3  }
0x70: {  	_ =	sfence.sel $0x180000  }
0x71: {  	[bflag:$0x0] =	sbarrier.arrive $0xFFFF  }
0x72: {  	p0 =	sne.s32 s0, $0x0;
	_ =	strace $0x9000004A  }
0x73: {  	s0 =	sadd.s32 @!p0 $0x100000, s1;
	[bflag:$0x2] =	sbarrier.arrive $0xFFFF  }
0x74: {  	[sflag:s0] =	ssyncadd.tile.s32 @!p0 $0x1;
	_ =	shalt  }
.Lfunc_end2:
_tile_overlayer_lowered:
.L_overlay_start_2:
0x75: {  	(tag) =	ssettag $0x2  }
0x76: {  	s0 =	rddreg [dreg:$0x0];
	s2 =	stileid.u32  }
0x77: {  	s1 =	rddreg [dreg:$0x1];
	p0 =	sne.s32 s2, $0x0  }
0x78: {  	s3 =	rddreg [dreg:$0x2];
	[bflag:$0x3] =	sbarrier.arrive $0xFFFF;
	s2 =	simm.s32 @!p0 $0x1C01  }
0x79: {  	[timem:s3], [sflag:s2] =	dma.local @!p0 [hbm:s0], s1  }
0x7a: {  	s0 =	simm.s32 @!p0 $0x1  }
0x7b: {  	_ =	swait.ge @!p0 [sflag:s0], s1  }
0x7c: {  	s1 =	ssub.s32 @!p0 $0x0, s1;
	[sflag:s0] =	ssyncset.done @!p0 $0x0  }
0x7d: {  	[sflag:s0] =	ssyncadd.s32 @!p0 s1  }
0x7e: {  	[bflag:$0x3] =	sbarrier.arrive $0xFFFF  }
0x7f: {  	_ =	shalt  }

// kernel: kernel.16.cloned.1.call-start
scs
__scs_entry_jumppad:
0x0: {  	(pc) =	sbr.rel $0x88, $3  }
0x1: {  	(tag) =	ssettag $0x0;
	lr =	simm.s32 $0x1  }
0x2: {  	[smem:$0x3F7B] =	sst lr;
	_ =	strace $0xD0000000  }
0x3: {  	_ = 	snop  }
0x4: {  	_ = 	snop  }
0x5: {  	_ = 	snop  }
0x6: {  	_ = 	snop  }
0x7: {  	_ = 	snop  }
__scs_overlays_trampoline_lowered:
0x8: {  	[smem:$0x3F8A] =	sst s0  }
0x9: {  	[smem:$0x3F8B] =	sst s1  }
0xa: {  	[smem:$0x3F8C] =	sst s2  }
0xb: {  	[smem:$0x3F8D] =	sst s3  }
0xc: {  	[smem:$0x3F8E] =	sst s4  }
0xd: {  	[smem:$0x3F8F] =	sst s5  }
0xe: {  	[smem:$0x3F90] =	sst s6  }
0xf: {  	[smem:$0x3F91] =	sst s7  }
0x10: {  	[smem:$0x3F92] =	sst s8  }
0x11: {  	[smem:$0x3F93] =	sst s9;
	s0 =	simm.s32 @!p0 $0x0  }
0x12: {  	s1 =	sld [smem:$0x3F79];
	s0 =	simm.s32 @p0 $0x1  }
0x13: {  	[smem:$0x3F94] =	sst s0;
	s0 =	simm.s32 @!p1 $0x0  }
0x14: {  	s2 =	sld [smem:$0x3F78];
	s0 =	simm.s32 @p1 $0x1  }
0x15: {  	[smem:$0x3F95] =	sst s0;
	s0 =	simm.s32 @!p2 $0x0  }
0x16: {  	s3 =	sld [smem:$0x3FDB];
	s0 =	simm.s32 @p2 $0x1  }
0x17: {  	s4 =	simm.s32 $0x1BF5;
	[smem:$0x3F97] =	sst s0  }
0x18: {  	s0 =	sld [smem:$0x3F7A];
	_ =	swait.ge [sflag:s4], $0x0  }
0x19: {  	s7 =	sld [smem:$0x3F7B]  }
0x1a: {  	s8 =	sadd.s32 $0xFFFFE003, lr  }
0x1b: {  	s9 =	sadd.s32 $0xFFFFFEF7, lr;
	s5 =	simm.s32 $0xFFFFFFFF;
	p2 =	slt.u32 s8, $0xFFFFF086  }
0x1c: {  	p1 =	slt.u32 s9, $0xF7A;
	s5 =	simm.s32 @!p2 $0x0  }
0x1d: {  	s5 =	simm.s32 @p1 $0x1;
	p0 =	seq.s32 s7, s2  }
0x1e: {  	s7 =	smul.u32 @!p0 $0xF7A, s2;
	p2 =	seq.s32 @!p0 s5, $0x0  }
0x1f: {  	s9 =	smul.u32 $0xF7A, s1;
	s8 =	simm.s32 @!p0 $0x1BF5;
	p2 =	por !p2, p0  }
0x20: {  	[sflag:s8] =	ssyncset.s32 @!p0 $0xFFFFF086;
	s6 =	sadd.s32 @!p0 s3, s7;
	s7 =	simm.s32 @!p0 $0x108  }
0x21: {  	s3 =	sadd.s32 s3, s9;
	s6 =	sadd.s32 @!p0 $0x88, s6;
	s7 =	simm.s32 @p2 $0x1082  }
0x22: {  	[simem:s7], [sflag:s8] =	dma.local @!p0 [hbm:s6], $0xF7A  }
0x23: {  	s9 =	sor.u32 $0xD0000000, s2;
	s6 =	simm.s32 $0x108;
	_ =	swait.ge @!p0 [sflag:s8], $0x0  }
0x24: {  	s3 =	sadd.s32 $0x88, s3;
	s6 =	simm.s32 @!p1 $0x1082;
	[sflag:s4] =	ssyncset.s32 $0xFFFFF086  }
0x25: {  	[simem:s6], [sflag:s4] =	dma.local [hbm:s3], $0xF7A  }
0x26: {  	[smem:$0x3F7B] =	sst s1;
	(tag) =	ssettag s2;
	_ =	strace s9  }
0x27: {  	s1 =	sld [smem:$0x3F8B]  }
0x28: {  	s2 =	sld [smem:$0x3F8C]  }
0x29: {  	s4 =	sld [smem:$0x3F8E]  }
0x2a: {  	p0 =	seq.s32 s5, $0x0;
	s5 =	sld [smem:$0x3F8F]  }
0x2b: {  	s6 =	sld [smem:$0x3F90]  }
0x2c: {  	s7 =	sld [smem:$0x3F91]  }
0x2d: {  	s3 =	simm.s32 $0x108;
	s8 =	sld [smem:$0x3F92]  }
0x2e: {  	s3 =	simm.s32 @!p0 $0x1082;
	s9 =	sld [smem:$0x3F93]  }
0x2f: {  	lr =	sadd.s32 s0, s3;
	s0 =	sld [smem:$0x3F8A]  }
0x30: {  	s3 =	sld [smem:$0x3F8D]  }
0x31: {  	[smem:$0x3F96] =	sst s10  }
0x32: {  	s10 =	sld [smem:$0x3F94];
	_ =	sdelay $0x3  }
0x33: {  	p0 =	seq.s32 s10, $0x1;
	s10 =	sld [smem:$0x3F96];
	_ =	sdelay $0x3  }
0x34: {  	[smem:$0x3F96] =	sst s10  }
0x35: {  	s10 =	sld [smem:$0x3F95];
	_ =	sdelay $0x3  }
0x36: {  	p1 =	seq.s32 s10, $0x1;
	s10 =	sld [smem:$0x3F96];
	_ =	sdelay $0x3  }
0x37: {  	[smem:$0x3F96] =	sst s10  }
0x38: {  	s10 =	sld [smem:$0x3F97]  }
0x39: {  	_ = 	snop;
	(pc) =	sbr.ind lr, $3  }
0x3a: {  	_ = 	snop  }
0x3b: {  	_ = 	snop  }
0x3c: {  	p2 =	seq.s32 s10, $0x1;
	s10 =	sld [smem:$0x3F96]  }
0x3d: {  	_ =	shalt  }
0x3e: {  	_ =	shalt  }
0x3f: {  	_ =	shalt  }
0x40: {  	_ =	shalt  }
0x41: {  	_ =	shalt  }
0x42: {  	_ =	shalt  }
0x43: {  	_ =	shalt  }
0x44: {  	_ =	shalt  }
0x45: {  	_ =	shalt  }
0x46: {  	_ =	shalt  }
0x47: {  	_ =	shalt  }
0x48: {  	_ =	shalt  }
0x49: {  	_ =	shalt  }
0x4a: {  	_ =	shalt  }
0x4b: {  	_ =	shalt  }
0x4c: {  	_ =	shalt  }
0x4d: {  	_ =	shalt  }
0x4e: {  	_ =	shalt  }
0x4f: {  	_ =	shalt  }
0x50: {  	_ =	shalt  }
0x51: {  	_ =	shalt  }
0x52: {  	_ =	shalt  }
0x53: {  	_ =	shalt  }
0x54: {  	_ =	shalt  }
0x55: {  	_ =	shalt  }
0x56: {  	_ =	shalt  }
0x57: {  	_ =	shalt  }
0x58: {  	_ =	shalt  }
0x59: {  	_ =	shalt  }
0x5a: {  	_ =	shalt  }
0x5b: {  	_ =	shalt  }
0x5c: {  	_ =	shalt  }
0x5d: {  	_ =	shalt  }
0x5e: {  	_ =	shalt  }
0x5f: {  	_ =	shalt  }
0x60: {  	_ =	shalt  }
0x61: {  	_ =	shalt  }
0x62: {  	_ =	shalt  }
0x63: {  	_ =	shalt  }
0x64: {  	_ =	shalt  }
0x65: {  	_ =	shalt  }
0x66: {  	_ =	shalt  }
0x67: {  	_ =	shalt  }
0x68: {  	_ =	shalt  }
0x69: {  	_ =	shalt  }
0x6a: {  	_ =	shalt  }
0x6b: {  	_ =	shalt  }
0x6c: {  	_ =	shalt  }
0x6d: {  	_ =	shalt  }
0x6e: {  	_ =	shalt  }
0x6f: {  	_ =	shalt  }
0x70: {  	_ =	shalt  }
0x71: {  	_ =	shalt  }
0x72: {  	_ =	shalt  }
0x73: {  	_ =	shalt  }
0x74: {  	_ =	shalt  }
0x75: {  	_ =	shalt  }
0x76: {  	_ =	shalt  }
0x77: {  	_ =	shalt  }
0x78: {  	_ =	shalt  }
0x79: {  	_ =	shalt  }
0x7a: {  	_ =	shalt  }
0x7b: {  	_ =	shalt  }
0x7c: {  	_ =	shalt  }
0x7d: {  	_ =	shalt  }
0x7e: {  	_ =	shalt  }
0x7f: {  	_ =	shalt  }
0x80: {  	_ =	shalt  }
0x81: {  	_ =	shalt  }
0x82: {  	_ =	shalt  }
0x83: {  	_ =	shalt  }
0x84: {  	_ =	shalt  }
0x85: {  	_ =	shalt  }
0x86: {  	_ =	shalt  }
0x87: {  	_ =	shalt  }
.Lfunc_end0:
.L_simem_size_0:
called_computation.2_lowered:
.L_overlay_start_0:
0x88: {  	s2 =	sld [smem:$0x3FD9]  }
0x89: {  	s3 =	sld [smem:$0x3FFE];
	_ =	sdelay $0x1  }
0x8a: {  	s1 =	srdreg.scid  }
0x8b: {  	s0 =	sand.u32 $0x1, s1  }
0x8c: {  	s16 =	sshll.u32 s0, $0xA;
	s2 =	sadd.s32 s3, s2  }
0x8d: {  	s2 =	sadd.s32 s2, s16  }
0x8e: {  	[smem:$0x3FA2] =	sst s2  }
0x8f: {  	_ = 	snop  }
0x90: {  	(tm) =	ssettm $0x1  }
0x91: {  	s17 =	sld [smem:$0x3FFB];
	_ =	sdelay $0x3  }
0x92: {  	_ =	strace s17  }
0x93: {  	s2 =	sld [smem:$0x3FFC];
	_ =	sdelay $0x3  }
0x94: {  	_ =	strace s2  }
0x95: {  	s2 =	sld [smem:$0x3FFD];
	_ =	sdelay $0x3  }
0x96: {  	_ =	strace s2  }
0x97: {  	_ =	strace $0x8FFFFFFF  }
0x98: {  	s18 =	sld [smem:$0x3FDB];
	_ =	sdelay $0x1  }
0x99: {  	s19 =	simm.s32 $_scs_section_size  }
0x9a: {  	s4 =	simm.s32 $_size__tile_overlayer_lowered;
	s5 =	simm.s32 $_tile_overlayer_lowered  }
0x9b: {  	s22 =	simm.s32 $0x1BFF;
	s21 =	sshll.u32 s5, $0x1;
	s2 =	sadd.s32 s19, s18  }
0x9c: {  	s6 =	simm.s32 $0x0;
	s20 =	sshll.u32 s4, $0x1;
	s4 =	sadd.s32 s21, s2  }
0x9d: {  	[timem:s6], [sflag:s22] =	dma.local [hbm:s4], s20  }
0x9e: {  	_ =	swait.ge [sflag:s22], s20  }
0x9f: {  	s3 =	ssub.s32 $0x0, s20;
	[sflag:s22] =	ssyncset.done $0x0  }
0xa0: {  	[sflag:s22] =	ssyncadd.s32 s3;
	_ =	sdelay $0x1  }
0xa1: {  	s23 =	simm.s32 $0x1B8B  }
0xa2: {  	_ =	swait.ge [sflag:s23], $0x1  }
0xa3: {  	[sflag:s23] =	ssyncset.done $0x0  }
0xa4: {  	s25 =	simm.s32 $0x1B8E;
	s24 =	sld [smem:$0x3FFE];
	[sflag:s23] =	ssyncadd.s32 $0xFFFFFFFF  }
0xa5: {  	s26 =	simm.s32 $execute0_lowered;
	[smem:$0x3FD2] =	sst s25  }
0xa6: {  	s4 =	sshll.u32 s26, $0x1;
	_ =	strace $0x8000004C;
	[dreg:$0x1] =	wrdreg $0xFFFFFFFF  }
0xa7: {  	s28 =	simm.s32 $_size_execute0_lowered;
	s2 =	sadd.s32 s2, s4;
	[dreg:$0x0] =	wrdreg $0x0  }
0xa8: {  	s4 =	sshll.u32 s28, $0x1;
	[dreg:$0x2] =	wrdreg s2  }
0xa9: {  	[dreg:$0x3] =	wrdreg s4  }
0xaa: {  	[dreg:$0x4] =	wrdreg $0xC0  }
0xab: {  	_ =	task [dreg:s6], $0x5FFFF  }
0xac: {  	[dreg:$0x1] =	wrdreg $0xFFFFFFFF  }
0xad: {  	[dreg:$0x0] =	wrdreg $0x60  }
0xae: {  	[dreg:$0x2] =	wrdreg s24  }
0xaf: {  	[dreg:$0x3] =	wrdreg $0x9  }
0xb0: {  	_ =	task.clear_ibuf [dreg:s6], $0x4FFFF;
	_ =	strace $0x9000004C  }
0xb1: {  	s29 =	simm.s32 $0x9;
	_ =	strace $0x8000004E  }
0xb2: {  	_ =	swait.ge [sflag:s29], $0x1  }
0xb3: {  	[sflag:s29] =	ssyncadd.s32 $0xFFFFFFFF  }
0xb4: {  	_ =	strace $0x9000004E  }
0xb5: {  	_ =	sfence  }
0xb6: {  	s30 =	sld [smem:$0x0];
	_ =	sdelay $0x2  }
0xb7: {  	s31 =	sshll.u32 s1, $0xD;
	s1 =	sshrl.u32 s1, $0x2  }
0xb8: {  	s3 =	sand.u32 $0x4000, s31;
	s1 =	sadd.s32 s1, s30  }
0xb9: {  	s0 =	sor.u32 s3, s0;
	s1 =	sshll.u32 s1, $0x11  }
0xba: {  	s0 =	sor.u32 s1, s0  }
0xbb: {  	s0 =	sadd.s32 $0x8F2B, s0  }
0xbc: {  	[sflag:s0] =	ssyncadd.remote.s32 $0x1  }
0xbd: {  	_ =	sfence.sel $0xFFFF  }
0xbe: {  	[dreg:$0x0] =	wrdreg $0xFFFFFFFF;
	(pc) =	sbr.abs _section_cstart, $3  }
0xbf: {  	[dreg:$0x1] =	wrdreg $0xFFFFFFFF  }
0xc0: {  	_ =	task.clear_ibuf [dreg:s6], $0x2FFFF;
	_ =	strace $0x9FFFFFFF  }
0xc1: {  	(tm) =	ssettm $0x7FFFFFFF  }
tec
execute0_lowered:
.L_overlay_start_1:
0x0: {  	(tag) =	ssettag $0x1  }
0x1: {  	s5 =	rddreg [dreg:$0x0]  }
0x2: {  	s0 =	rddreg [dreg:$0x1]  }
0x3: {  	s2 =	simm.s32 $0x0;
	s3 =	srdreg.scid;
	s1 =	stileid.u32  }
0x4: {  	s11 =	simm.s32 $0x1;
	s12 =	simm.s32 $0x0;
	s7 =	smul.u32 $0x9C40, s1  }
0x5: {  	[smem:$0x7FF] =	sst s2;
	s6 =	sand.u32 $0x1, s3;
	s9 =	smul.u32 $0x9C400, s1  }
0x6: {  	s3 =	sadd.s32 $0x40800, s5;
	s4 =	sadd.s32 $0x19600, s5;
	s8 =	smul.u32 $0x4E20, s6  }
0x7: {  	p0 =	sgt.u32 s1, $0x7;
	s30 =	ssub.s32 $0x2, s6;
	s6 =	smul.u32 $0x4E200, s6  }
.Ltmp0:
0x8: {  	_ =	strace $0x8000004D;
	s10 =	sshrl.u32 s30, $0x1;
	(pc) =	sbr.rel .LBB2_1-.Ltmp0, $4  }
0x9: {  	s9 =	sadd.s32 s9, s5;
	s7 =	sadd.s32 s8, s7;
	s31 =	ssub.s32 s30, s10  }
0xa: {  	s6 =	sadd.s32 s6, s9;
	s8 =	simm.s32 $0x2;
	s7 =	sshrl.u32 s7, $0x3  }
0xb: {  	s9 =	simm.s32 $0x320;
	s10 =	simm.s32 $0x380;
	s7 =	sadd.s32 s7, s5  }
0xc: {  	s6 =	sadd.s32 $0x67A00, s6;
	s5 =	smax.u32 s31, $0x1;
	s7 =	sadd.s32 $0x5C00, s7  }
.LBB2_7:
0xd: {  	s14 =	sadd.s32 s14, s7;
	[sflag:s8] =	ssyncadd.s32 $0xFFFE7000  }
0xe: {  	[tilespmem:s2], [sflag:$0x2] =	stream.linear.gather [hbm4b:s14+s2], $0x320, $0x38;
	[tilespmem:$0x19380] =	vst v63  }
0xf: {  	_ =	swait.ge [sflag:s8], $0x320  }
0x10: {  	[sflag:s8] =	ssyncset.done $0x0  }
0x11: {  	[sflag:s8] =	ssyncadd.s32 $0xFFFFFCE0  }
0x12: {  	[tilespmem:s10], [sflag:$0x1] =	stream.indirect.gather [hbm4b:s4+s9], $0x80, s2, s9, $0xb8;
	[tilespmem:$0x19380] =	vst v63  }
0x13: {  	_ =	swait.ge [sflag:s11], $0x19000  }
0x14: {  	[sflag:s11] =	ssyncset.done $0x0  }
0x15: {  	[sflag:s11] =	ssyncadd.s32 $0xFFFE7000  }
0x16: {  	[hbm4b:s13+s2] =	stream.linear.scatter [tilespmem:s10], [sflag:$0x2], $0x19000, $0x38;
	[tilespmem:$0x19380] =	vst v63  }
0x17: {  	_ =	swait.ge [sflag:s8], $0x19000  }
0x18: {  	[sflag:s8] =	ssyncset.done $0x0  }
0x19: {  	[sflag:s8] =	ssyncadd.s32 $0xFFFE7000  }
.LBB2_8:
0x1a: {  	s12 =	sadd.s32 $0x1, s12  }
0x1b: {  	p1 =	sne.s32 s12, s5  }
.Ltmp1:
0x1c: {  	_ = 	snop;
	(pc) =	sbr.rel @!p1 .LBB2_9-.Ltmp1, $1  }
0x1d: {  	_ =	sdelay $0x3  }
.LBB2_1:
.Ltmp2:
0x1e: {  	(pc) =	sbr.rel @p0 .LBB2_5-.Ltmp2, $2  }
0x1f: {  	_ =	sdelay $0x2  }
0x20: {  	s13 =	sadd.s32 $0x0, s7  }
0x21: {  	[tilespmem:s2], [sflag:$0x2] =	stream.linear.gather [hbm4b:s13+s2], $0x320, $0x38;
	[tilespmem:$0x19380] =	vst v63  }
0x22: {  	_ =	swait.ge [sflag:s8], $0x320  }
0x23: {  	[sflag:s8] =	ssyncset.done $0x0  }
0x24: {  	[sflag:s8] =	ssyncadd.s32 $0xFFFFFCE0  }
0x25: {  	[tilespmem:s10], [sflag:$0x1] =	stream.indirect.gather [hbm4b:s3+s9], $0x80, s2, s9, $0xb8;
	[tilespmem:$0x19380] =	vst v63  }
0x26: {  	_ =	swait.ge [sflag:s11], $0x19000  }
0x27: {  	[sflag:s11] =	ssyncset.done $0x0  }
0x28: {  	[sflag:s11] =	ssyncadd.s32 $0xFFFE7000  }
0x29: {  	[hbm4b:s6+s2] =	stream.linear.scatter [tilespmem:s10], [sflag:$0x2], $0x19000, $0x38;
	[tilespmem:$0x19380] =	vst v63  }
0x2a: {  	s14 =	simm.s32 $0x64;
	_ =	swait.ge [sflag:s8], $0x19000  }
0x2b: {  	s15 =	simm.s32 $0xC8;
	s13 =	sadd.s32 $0x3200, s6;
	[sflag:s8] =	ssyncset.done $0x0  }
.LBB2_3:
0x2c: {  	s16 =	sadd.s32 s14, s7  }
0x2d: {  	[sflag:s8] =	ssyncadd.s32 $0xFFFE7000;
	s14 =	smov.u32 s15;
	s17 =	sadd.s32 $0x64, s15  }
0x2e: {  	[tilespmem:s2], [sflag:$0x2] =	stream.linear.gather [hbm4b:s16+s2], $0x320, $0x38;
	[tilespmem:$0x19380] =	vst v63  }
0x2f: {  	p1 =	seq.s32 s15, $0x960;
	_ =	swait.ge [sflag:s8], $0x320  }
0x30: {  	[sflag:s8] =	ssyncset.done $0x0  }
0x31: {  	[sflag:s8] =	ssyncadd.s32 $0xFFFFFCE0  }
0x32: {  	[tilespmem:s10], [sflag:$0x1] =	stream.indirect.gather [hbm4b:s3+s9], $0x80, s2, s9, $0xb8;
	[tilespmem:$0x19380] =	vst v63  }
0x33: {  	_ =	swait.ge [sflag:s11], $0x19000  }
.Ltmp3:
0x34: {  	[sflag:s11] =	ssyncset.done $0x0;
	(pc) =	sbr.rel @!p1 .LBB2_3-.Ltmp3, $4  }
0x35: {  	[sflag:s11] =	ssyncadd.s32 $0xFFFE7000  }
0x36: {  	[hbm4b:s13+s2] =	stream.linear.scatter [tilespmem:s10], [sflag:$0x2], $0x19000, $0x38;
	[tilespmem:$0x19380] =	vst v63  }
0x37: {  	_ =	swait.ge [sflag:s8], $0x19000  }
0x38: {  	s15 =	smov.u32 s17;
	s13 =	sadd.s32 $0x3200, s13;
	[sflag:s8] =	ssyncset.done $0x0  }
0x39: {  	s14 =	sadd.s32 s14, s7;
	[sflag:s8] =	ssyncadd.s32 $0xFFFE7000  }
0x3a: {  	[tilespmem:s2], [sflag:$0x2] =	stream.linear.gather [hbm4b:s14+s2], $0x320, $0x38;
	[tilespmem:$0x19380] =	vst v63  }
0x3b: {  	_ =	swait.ge [sflag:s8], $0x320  }
0x3c: {  	[sflag:s8] =	ssyncset.done $0x0  }
0x3d: {  	[sflag:s8] =	ssyncadd.s32 $0xFFFFFCE0  }
0x3e: {  	[tilespmem:s10], [sflag:$0x1] =	stream.indirect.gather [hbm4b:s3+s9], $0x80, s2, s9, $0xb8;
	[tilespmem:$0x19380] =	vst v63  }
0x3f: {  	_ =	swait.ge [sflag:s11], $0x19000  }
0x40: {  	[sflag:s11] =	ssyncset.done $0x0  }
.Ltmp4:
0x41: {  	[sflag:s11] =	ssyncadd.s32 $0xFFFE7000;
	(pc) =	sbr.rel .LBB2_8-.Ltmp4, $4  }
0x42: {  	[hbm4b:s13+s2] =	stream.linear.scatter [tilespmem:s10], [sflag:$0x2], $0x19000, $0x38;
	[tilespmem:$0x19380] =	vst v63  }
0x43: {  	_ =	swait.ge [sflag:s8], $0x19000  }
0x44: {  	[sflag:s8] =	ssyncset.done $0x0  }
0x45: {  	[sflag:s8] =	ssyncadd.s32 $0xFFFE7000  }
.LBB2_5:
0x46: {  	[tilespmem:s2], [sflag:$0x2] =	stream.linear.gather [hbm4b:s13+s2], $0x320, $0x38;
	[tilespmem:$0x19380] =	vst v63  }
0x47: {  	_ =	swait.ge [sflag:s8], $0x320  }
0x48: {  	[sflag:s8] =	ssyncset.done $0x0  }
0x49: {  	[sflag:s8] =	ssyncadd.s32 $0xFFFFFCE0  }
0x4a: {  	[tilespmem:s10], [sflag:$0x1] =	stream.indirect.gather [hbm4b:s4+s9], $0x80, s2, s9, $0xb8;
	[tilespmem:$0x19380] =	vst v63  }
0x4b: {  	_ =	swait.ge [sflag:s11], $0x19000  }
0x4c: {  	[sflag:s11] =	ssyncset.done $0x0  }
0x4d: {  	[sflag:s11] =	ssyncadd.s32 $0xFFFE7000  }
0x4e: {  	[hbm4b:s6+s2] =	stream.linear.scatter [tilespmem:s10], [sflag:$0x2], $0x19000, $0x38;
	[tilespmem:$0x19380] =	vst v63  }
0x4f: {  	s14 =	simm.s32 $0x64;
	_ =	swait.ge [sflag:s8], $0x19000  }
0x50: {  	s15 =	simm.s32 $0xC8;
	s13 =	sadd.s32 $0x3200, s6;
	[sflag:s8] =	ssyncset.done $0x0  }
.LBB2_6:
0x51: {  	s16 =	sadd.s32 s14, s7  }
0x52: {  	[sflag:s8] =	ssyncadd.s32 $0xFFFE7000;
	s14 =	smov.u32 s15;
	s17 =	sadd.s32 $0x64, s15  }
0x53: {  	[tilespmem:s2], [sflag:$0x2] =	stream.linear.gather [hbm4b:s16+s2], $0x320, $0x38;
	[tilespmem:$0x19380] =	vst v63  }
0x54: {  	p1 =	sne.s32 s15, $0x960;
	_ =	swait.ge [sflag:s8], $0x320  }
0x55: {  	[sflag:s8] =	ssyncset.done $0x0  }
0x56: {  	[sflag:s8] =	ssyncadd.s32 $0xFFFFFCE0  }
0x57: {  	[tilespmem:s10], [sflag:$0x1] =	stream.indirect.gather [hbm4b:s4+s9], $0x80, s2, s9, $0xb8;
	[tilespmem:$0x19380] =	vst v63  }
0x58: {  	_ =	swait.ge [sflag:s11], $0x19000  }
.Ltmp5:
0x59: {  	[sflag:s11] =	ssyncset.done $0x0;
	(pc) =	sbr.rel @p1 .LBB2_6-.Ltmp5, $4  }
0x5a: {  	[sflag:s11] =	ssyncadd.s32 $0xFFFE7000  }
0x5b: {  	[hbm4b:s13+s2] =	stream.linear.scatter [tilespmem:s10], [sflag:$0x2], $0x19000, $0x38;
	[tilespmem:$0x19380] =	vst v63  }
0x5c: {  	_ =	swait.ge [sflag:s8], $0x19000  }
0x5d: {  	s15 =	smov.u32 s17;
	s13 =	sadd.s32 $0x3200, s13;
	[sflag:s8] =	ssyncset.done $0x0  }
.Ltmp6:
0x5e: {  	_ = 	snop;
	(pc) =	sbr.rel .LBB2_7-.Ltmp6, $1  }
0x5f: {  	_ =	sdelay $0x3  }
.LBB2_9:
0x60: {  	_ =	sfence.sel $0x180000  }
0x61: {  	[bflag:$0x0] =	sbarrier.arrive $0xFFFF  }
0x62: {  	p0 =	sne.s32 s1, $0x0;
	_ =	strace $0x9000004D  }
0x63: {  	s0 =	sadd.s32 @!p0 $0x100000, s0;
	[bflag:$0x2] =	sbarrier.arrive $0xFFFF  }
0x64: {  	[sflag:s0] =	ssyncadd.tile.s32 @!p0 $0x1;
	_ =	shalt  }
.Lfunc_end2:
_tile_overlayer_lowered:
.L_overlay_start_2:
0x65: {  	(tag) =	ssettag $0x2  }
0x66: {  	s0 =	rddreg [dreg:$0x0];
	s2 =	stileid.u32  }
0x67: {  	s1 =	rddreg [dreg:$0x1];
	p0 =	sne.s32 s2, $0x0  }
0x68: {  	s3 =	rddreg [dreg:$0x2];
	[bflag:$0x3] =	sbarrier.arrive $0xFFFF;
	s2 =	simm.s32 @!p0 $0x1C02  }
0x69: {  	[timem:s3], [sflag:s2] =	dma.local @!p0 [hbm:s0], s1  }
0x6a: {  	s0 =	simm.s32 @!p0 $0x2  }
0x6b: {  	_ =	swait.ge @!p0 [sflag:s0], s1  }
0x6c: {  	s1 =	ssub.s32 @!p0 $0x0, s1;
	[sflag:s0] =	ssyncset.done @!p0 $0x0  }
0x6d: {  	[sflag:s0] =	ssyncadd.s32 @!p0 s1  }
0x6e: {  	[bflag:$0x3] =	sbarrier.arrive $0xFFFF  }
0x6f: {  	_ =	shalt  }

</sc_bundles>
